<compile_context>
chip_gen: v7x
topology: tpu7x:2x2x1
jax: 0.10.2.dev20260603
libtpu: 0.0.44.dev20260713+nightly
codegen_flags: <defaults>
</compile_context>

<pallas_src>
import functools

import jax
import jax.numpy as jnp
from jax import lax
from jax.experimental import pallas as pl
from jax.experimental.pallas import tpu as pltpu
from jax.experimental.pallas import tpu_sc as plsc

B, T, D_IN, D_CODE, K, NCB = 16, 1024, 768, 256, 1024, 2
NTOK = B * T
BLK = 1024
SC_WORKERS = 32
SC_CHUNK = 128


def _first_argmin(dist):
    m = jnp.min(dist, axis=1, keepdims=True)
    iota = jax.lax.broadcasted_iota(jnp.int32, dist.shape, 1)
    idx = jnp.min(jnp.where(dist == m, iota, K), axis=1)
    return idx, iota


def _body_a(x_ref, we_ref, be_ref, cbt0_ref, c20_ref, enc_ref, idx_ref):
    x = x_ref[...]
    enc = jnp.dot(x, we_ref[...], preferred_element_type=jnp.float32) + be_ref[...]
    res = enc
    r2 = jnp.sum(res * res, axis=1, keepdims=True)
    dots = jnp.dot(res, cbt0_ref[...], preferred_element_type=jnp.float32)
    dist = r2 - 2.0 * dots + c20_ref[...]
    idx, _ = _first_argmin(dist)
    enc_ref[...] = enc
    idx_ref[...] = idx[None, None, :]


def _body_b(enc_ref, q1_ref, cb1_ref, cbt1_ref, c21_ref, wd_ref, bd_ref, o_ref):
    enc = enc_ref[...]
    q1 = q1_ref[...]
    res = enc - q1
    r2 = jnp.sum(res * res, axis=1, keepdims=True)
    dots = jnp.dot(res, cbt1_ref[...], preferred_element_type=jnp.float32)
    dist = r2 - 2.0 * dots + c21_ref[...]
    idx, iota = _first_argmin(dist)
    onehot = (iota == idx[:, None]).astype(jnp.float32)
    q2 = jnp.dot(onehot, cb1_ref[...], preferred_element_type=jnp.float32)
    s = q1 + q2
    codes = enc + (s - enc)
    o_ref[...] = jnp.dot(codes, wd_ref[...], preferred_element_type=jnp.float32) + bd_ref[...]


def _sc_gather(table, idx):
    n = idx.shape[0]
    bpw = n // SC_WORKERS
    mesh = plsc.VectorSubcoreMesh(core_axis_name="c", subcore_axis_name="s")

    n_chunks = bpw // SC_CHUNK

    @functools.partial(
        pl.kernel, mesh=mesh,
        out_type=jax.ShapeDtypeStruct((n, D_CODE), jnp.float32),
        scratch_types=[
            pltpu.VMEM((bpw,), jnp.int32),
            pltpu.VMEM((SC_CHUNK, D_CODE), jnp.float32),
            pltpu.VMEM((SC_CHUNK, D_CODE), jnp.float32),
            pltpu.VMEM((SC_CHUNK, D_CODE), jnp.float32),
            pltpu.SemaphoreType.DMA,
            pltpu.SemaphoreType.DMA,
            pltpu.SemaphoreType.DMA,
            pltpu.SemaphoreType.DMA,
            pltpu.SemaphoreType.DMA,
            pltpu.SemaphoreType.DMA,
        ],
    )
    def k2(table_hbm, idx_hbm, out_hbm, idx_v, b0, b1, b2, g0, g1, g2,
           o0, o1, o2):
        wid = lax.axis_index("s") * 2 + lax.axis_index("c")
        base = wid * bpw
        pltpu.sync_copy(idx_hbm.at[pl.ds(base, bpw)], idx_v)
        bufs = (b0, b1, b2)
        gsem = (g0, g1, g2)
        osem = (o0, o1, o2)
        gats = [None] * n_chunks
        wrs = [None] * n_chunks
        for c in range(n_chunks):
            s = c % 3
            if c >= 3:
                wrs[c - 3].wait()
            gats[c] = pltpu.async_copy(
                table_hbm.at[idx_v.at[pl.ds(c * SC_CHUNK, SC_CHUNK)]],
                bufs[s], gsem[s])
            if c >= 1:
                p = c - 1
                gats[p].wait()
                wrs[p] = pltpu.async_copy(
                    bufs[p % 3],
                    out_hbm.at[pl.ds(base + p * SC_CHUNK, SC_CHUNK)],
                    osem[p % 3])
        last = n_chunks - 1
        gats[last].wait()
        wrs[last] = pltpu.async_copy(
            bufs[last % 3],
            out_hbm.at[pl.ds(base + last * SC_CHUNK, SC_CHUNK)],
            osem[last % 3])
        for p in range(max(0, n_chunks - 3), n_chunks):
            wrs[p].wait()

    return k2(table, idx)


@jax.jit
def _run(xf, W_enc, b_enc, W_dec, b_dec, codebooks, cbT, c2_all):
    n_blk = NTOK // BLK
    rep = lambda i: (0, 0)
    enc, idx1 = pl.pallas_call(
        _body_a,
        grid=(n_blk,),
        in_specs=[
            pl.BlockSpec((BLK, D_IN), lambda i: (i, 0)),
            pl.BlockSpec((D_IN, D_CODE), rep),
            pl.BlockSpec((1, D_CODE), rep),
            pl.BlockSpec((D_CODE, K), rep),
            pl.BlockSpec((1, K), rep),
        ],
        out_specs=[
            pl.BlockSpec((BLK, D_CODE), lambda i: (i, 0)),
            pl.BlockSpec((1, 1, BLK), lambda i: (i, 0, 0)),
        ],
        out_shape=[
            jax.ShapeDtypeStruct((NTOK, D_CODE), jnp.float32),
            jax.ShapeDtypeStruct((n_blk, 1, BLK), jnp.int32),
        ],
    )(xf, W_enc, b_enc.reshape(1, D_CODE), cbT[0], c2_all[0])

    q1 = _sc_gather(codebooks[0], idx1.reshape(NTOK))

    out = pl.pallas_call(
        _body_b,
        grid=(n_blk,),
        in_specs=[
            pl.BlockSpec((BLK, D_CODE), lambda i: (i, 0)),
            pl.BlockSpec((BLK, D_CODE), lambda i: (i, 0)),
            pl.BlockSpec((K, D_CODE), rep),
            pl.BlockSpec((D_CODE, K), rep),
            pl.BlockSpec((1, K), rep),
            pl.BlockSpec((D_CODE, D_IN), rep),
            pl.BlockSpec((1, D_IN), rep),
        ],
        out_specs=pl.BlockSpec((BLK, D_IN), lambda i: (i, 0)),
        out_shape=jax.ShapeDtypeStruct((NTOK, D_IN), jnp.float32),
    )(enc, q1, codebooks[1], cbT[1], c2_all[1], W_dec, b_dec.reshape(1, D_IN))
    return out


def kernel(x, W_enc, b_enc, W_dec, b_dec, codebooks):
    xf = x.reshape(NTOK, D_IN)
    cbT = jnp.transpose(codebooks, (0, 2, 1))
    c2_all = jnp.stack([jnp.sum(codebooks[i] ** 2, axis=-1)[None, :]
                        for i in range(NCB)])
    out = _run(xf, W_enc, b_enc, W_dec, b_dec, codebooks, cbT, c2_all)
    return out.reshape(B, T, D_IN)

# --- scband reference (transcript-rebuilt; emitter-appended) ---
"""Pipeline reference for scband-autoencoder-53008486367978 (READ-ONLY COPY).

The authoritative reference and input builder live on the scoring server;
editing this copy changes nothing except your own understanding.
"""

import jax, jax.numpy as jnp
import numpy as np

B, T, D_IN, D_CODE, K, NCB = 16, 1024, 768, 256, 1024, 2

def setup_inputs(seed: int = 0) -> dict:
    key = jax.random.key(seed)
    ks = jax.random.split(key, 5)
    x = jax.random.normal(ks[0], (B, T, D_IN), dtype=jnp.float32)
    W_enc = jax.random.normal(ks[1], (D_IN, D_CODE), dtype=jnp.float32) * (1.0 / np.sqrt(D_IN))
    b_enc = jnp.zeros((D_CODE,), dtype=jnp.float32)
    W_dec = jax.random.normal(ks[2], (D_CODE, D_IN), dtype=jnp.float32) * (1.0 / np.sqrt(D_CODE))
    b_dec = jnp.zeros((D_IN,), dtype=jnp.float32)
    codebooks = jax.random.normal(ks[3], (NCB, K, D_CODE), dtype=jnp.float32)
    return {"x": x, "W_enc": W_enc, "b_enc": b_enc, "W_dec": W_dec, "b_dec": b_dec, "codebooks": codebooks}

def _quantize(residual, cb):
    # residual: [B, T, D], cb: [K, D]
    r2 = jnp.sum(residual ** 2, axis=-1, keepdims=True)            # [B,T,1]
    c2 = jnp.sum(cb ** 2, axis=-1)                                  # [K]
    dots = jnp.einsum('btd,kd->btk', residual, cb)                  # [B,T,K]
    dist = r2 - 2.0 * dots + c2                                     # [B,T,K]
    idx = jnp.argmin(dist, axis=-1)                                 # [B,T]
    q = jnp.take(cb, idx, axis=0)                                   # [B,T,D]
    return q, idx

def reference(x, W_enc, b_enc, W_dec, b_dec, codebooks):
    # encoder
    enc = jnp.dot(x, W_enc) + b_enc                                 # [B,T,D_CODE]
    # residual vector quantizer (returns codes = sum of quantized residual stages,
    # with straight-through estimator like the Keras quantizer layer)
    residual = enc
    quant_sum = jnp.zeros_like(enc)
    for i in range(codebooks.shape[0]):
        q, idx = _quantize(residual, codebooks[i])
        quant_sum = quant_sum + q
        residual = residual - q
    codes = enc + jax.lax.stop_gradient(quant_sum - enc)
    # decoder -> reconstructions (the functional model output: decoder(quantizer(encoder(x))[0]))
    recon = jnp.dot(codes, W_dec) + b_dec                           # [B,T,D_IN]
    return recon

if __name__ == "__main__":
    import jax
    _d = setup_inputs()
    print(jax.jit(kernel)(*tuple(_d.values())))

</pallas_src>

<mosaic_0001>
#map = affine_map<(d0, d1) -> (0, 0)>
#map1 = affine_map<(d0, d1) -> (0)>
module attributes {stable_mosaic.version = 14 : i64} {
  func.func @k2(%arg0: i32, %arg1: i32, %arg2: memref<1024x256xf32, #tpu.memory_space<hbm>>, %arg3: memref<16384xi32, #tpu.memory_space<hbm>>, %arg4: memref<16384x256xf32, #tpu.memory_space<hbm>>, %arg5: memref<512xi32, #tpu.memory_space<vmem>>, %arg6: memref<128x256xf32, #tpu.memory_space<vmem>>, %arg7: memref<128x256xf32, #tpu.memory_space<vmem>>, %arg8: memref<128x256xf32, #tpu.memory_space<vmem>>, %arg9: memref<!tpu.dma_semaphore, #tpu.memory_space<semaphore_mem>>, %arg10: memref<!tpu.dma_semaphore, #tpu.memory_space<semaphore_mem>>, %arg11: memref<!tpu.dma_semaphore, #tpu.memory_space<semaphore_mem>>, %arg12: memref<!tpu.dma_semaphore, #tpu.memory_space<semaphore_mem>>, %arg13: memref<!tpu.dma_semaphore, #tpu.memory_space<semaphore_mem>>, %arg14: memref<!tpu.dma_semaphore, #tpu.memory_space<semaphore_mem>>) attributes {dimension_semantics = [#tpu.dimension_semantics<core_parallel>, #tpu.dimension_semantics<subcore_parallel>], iteration_bounds = array<i64: 2, 16>, scalar_prefetch = 0 : i64, scratch_operands = 10 : i64, tpu.core_type = #tpu.core_type<sc_vector_subcore>, window_params = [{transform_indices = #map}, {transform_indices = #map1}, {transform_indices = #map}]} {
    %mul3A = arith.constant 2 : i32
    %mul3A_0 = arith.muli %arg1, %mul3A : i32
    %add3A = arith.addi %mul3A_0, %arg0 : i32
    %mul3A_1 = arith.constant 512 : i32
    %mul3A_2 = arith.muli %add3A, %mul3A_1 : i32
    "tpu.region"() ({
      %run_scoped3A = tpu.sem_alloc : memref<!tpu.dma_semaphore, #tpu.memory_space<semaphore_mem>>
      %dma_start3A_81 = tpu.memref_slice %arg3[%mul3A_2] : memref<16384xi32, #tpu.memory_space<hbm>> -> memref<512xi32, #tpu.memory_space<hbm>>
      %dma_start3A_82 = tpu.memref_slice %arg3[%mul3A_2] : memref<16384xi32, #tpu.memory_space<hbm>> -> memref<512xi32, #tpu.memory_space<hbm>>
      tpu.enqueue_dma source(%dma_start3A_82 : memref<512xi32, #tpu.memory_space<hbm>>) target(%arg5 : memref<512xi32, #tpu.memory_space<vmem>>) target_semaphore(%run_scoped3A : memref<!tpu.dma_semaphore, #tpu.memory_space<semaphore_mem>>)
      %dma_wait3A_83 = tpu.memref_slice %arg3[%mul3A_2] : memref<16384xi32, #tpu.memory_space<hbm>> -> memref<512xi32, #tpu.memory_space<hbm>>
      %dma_wait3A_84 = tpu.memref_slice %arg3[%mul3A_2] : memref<16384xi32, #tpu.memory_space<hbm>> -> memref<512xi32, #tpu.memory_space<hbm>>
      tpu.wait_dma2 semaphore(%run_scoped3A : memref<!tpu.dma_semaphore, #tpu.memory_space<semaphore_mem>>) src(%dma_wait3A_84 : memref<512xi32, #tpu.memory_space<hbm>>) dst(%arg5 : memref<512xi32, #tpu.memory_space<vmem>>)
      tpu.yield
    }) : () -> ()
    %dma_start3A = arith.constant 0 : i32
    %dma_start3A_3 = tpu.memref_slice %arg5[%dma_start3A] : memref<512xi32, #tpu.memory_space<vmem>> -> memref<128xi32, #tpu.memory_space<vmem>>
    %dma_start3A_4 = arith.constant 0 : i32
    %dma_start3A_5 = arith.constant 0 : i32
    %dma_start3A_6 = tpu.memref_slice %arg2[%dma_start3A_4, %dma_start3A_5] : memref<1024x256xf32, #tpu.memory_space<hbm>> -> memref<1024x256xf32, #tpu.memory_space<hbm>>
    tpu.enqueue_indirect_dma source(%dma_start3A_6 : memref<1024x256xf32, #tpu.memory_space<hbm>>) target(%arg6 : memref<128x256xf32, #tpu.memory_space<vmem>>) offsets(%dma_start3A_3 : memref<128xi32, #tpu.memory_space<vmem>>) semaphore(%arg9 : memref<!tpu.dma_semaphore, #tpu.memory_space<semaphore_mem>>)
    %dma_start3A_7 = arith.constant 128 : i32
    %dma_start3A_8 = tpu.memref_slice %arg5[%dma_start3A_7] : memref<512xi32, #tpu.memory_space<vmem>> -> memref<128xi32, #tpu.memory_space<vmem>>
    %dma_start3A_9 = arith.constant 0 : i32
    %dma_start3A_10 = arith.constant 0 : i32
    %dma_start3A_11 = tpu.memref_slice %arg2[%dma_start3A_9, %dma_start3A_10] : memref<1024x256xf32, #tpu.memory_space<hbm>> -> memref<1024x256xf32, #tpu.memory_space<hbm>>
    tpu.enqueue_indirect_dma source(%dma_start3A_11 : memref<1024x256xf32, #tpu.memory_space<hbm>>) target(%arg7 : memref<128x256xf32, #tpu.memory_space<vmem>>) offsets(%dma_start3A_8 : memref<128xi32, #tpu.memory_space<vmem>>) semaphore(%arg10 : memref<!tpu.dma_semaphore, #tpu.memory_space<semaphore_mem>>)
    %dma_wait3A = arith.constant 0 : i32
    %dma_wait3A_12 = tpu.memref_slice %arg5[%dma_wait3A] : memref<512xi32, #tpu.memory_space<vmem>> -> memref<128xi32, #tpu.memory_space<vmem>>
    %dma_wait3A_13 = arith.constant 0 : i32
    %dma_wait3A_14 = arith.constant 0 : i32
    %dma_wait3A_15 = tpu.memref_slice %arg2[%dma_wait3A_13, %dma_wait3A_14] : memref<1024x256xf32, #tpu.memory_space<hbm>> -> memref<1024x256xf32, #tpu.memory_space<hbm>>
    tpu.wait_indirect_dma semaphore(%arg9 : memref<!tpu.dma_semaphore, #tpu.memory_space<semaphore_mem>>) src(%dma_wait3A_15 : memref<1024x256xf32, #tpu.memory_space<hbm>>) dst(%arg6 : memref<128x256xf32, #tpu.memory_space<vmem>>)
    %add3A_16 = arith.constant 0 : i32
    %add3A_17 = arith.addi %mul3A_2, %add3A_16 : i32
    %dma_start3A_18 = arith.constant 0 : i32
    %dma_start3A_19 = tpu.memref_slice %arg4[%add3A_17, %dma_start3A_18] : memref<16384x256xf32, #tpu.memory_space<hbm>> -> memref<128x256xf32, #tpu.memory_space<hbm>>
    %dma_start3A_20 = arith.constant 0 : i32
    %dma_start3A_21 = tpu.memref_slice %arg4[%add3A_17, %dma_start3A_20] : memref<16384x256xf32, #tpu.memory_space<hbm>> -> memref<128x256xf32, #tpu.memory_space<hbm>>
    tpu.enqueue_dma source(%arg6 : memref<128x256xf32, #tpu.memory_space<vmem>>) target(%dma_start3A_21 : memref<128x256xf32, #tpu.memory_space<hbm>>) target_semaphore(%arg12 : memref<!tpu.dma_semaphore, #tpu.memory_space<semaphore_mem>>)
    %dma_start3A_22 = arith.constant 256 : i32
    %dma_start3A_23 = tpu.memref_slice %arg5[%dma_start3A_22] : memref<512xi32, #tpu.memory_space<vmem>> -> memref<128xi32, #tpu.memory_space<vmem>>
    %dma_start3A_24 = arith.constant 0 : i32
    %dma_start3A_25 = arith.constant 0 : i32
    %dma_start3A_26 = tpu.memref_slice %arg2[%dma_start3A_24, %dma_start3A_25] : memref<1024x256xf32, #tpu.memory_space<hbm>> -> memref<1024x256xf32, #tpu.memory_space<hbm>>
    tpu.enqueue_indirect_dma source(%dma_start3A_26 : memref<1024x256xf32, #tpu.memory_space<hbm>>) target(%arg8 : memref<128x256xf32, #tpu.memory_space<vmem>>) offsets(%dma_start3A_23 : memref<128xi32, #tpu.memory_space<vmem>>) semaphore(%arg11 : memref<!tpu.dma_semaphore, #tpu.memory_space<semaphore_mem>>)
    %dma_wait3A_27 = arith.constant 128 : i32
    %dma_wait3A_28 = tpu.memref_slice %arg5[%dma_wait3A_27] : memref<512xi32, #tpu.memory_space<vmem>> -> memref<128xi32, #tpu.memory_space<vmem>>
    %dma_wait3A_29 = arith.constant 0 : i32
    %dma_wait3A_30 = arith.constant 0 : i32
    %dma_wait3A_31 = tpu.memref_slice %arg2[%dma_wait3A_29, %dma_wait3A_30] : memref<1024x256xf32, #tpu.memory_space<hbm>> -> memref<1024x256xf32, #tpu.memory_space<hbm>>
    tpu.wait_indirect_dma semaphore(%arg10 : memref<!tpu.dma_semaphore, #tpu.memory_space<semaphore_mem>>) src(%dma_wait3A_31 : memref<1024x256xf32, #tpu.memory_space<hbm>>) dst(%arg7 : memref<128x256xf32, #tpu.memory_space<vmem>>)
    %add3A_32 = arith.constant 128 : i32
    %add3A_33 = arith.addi %mul3A_2, %add3A_32 : i32
    %dma_start3A_34 = arith.constant 0 : i32
    %dma_start3A_35 = tpu.memref_slice %arg4[%add3A_33, %dma_start3A_34] : memref<16384x256xf32, #tpu.memory_space<hbm>> -> memref<128x256xf32, #tpu.memory_space<hbm>>
    %dma_start3A_36 = arith.constant 0 : i32
    %dma_start3A_37 = tpu.memref_slice %arg4[%add3A_33, %dma_start3A_36] : memref<16384x256xf32, #tpu.memory_space<hbm>> -> memref<128x256xf32, #tpu.memory_space<hbm>>
    tpu.enqueue_dma source(%arg7 : memref<128x256xf32, #tpu.memory_space<vmem>>) target(%dma_start3A_37 : memref<128x256xf32, #tpu.memory_space<hbm>>) target_semaphore(%arg13 : memref<!tpu.dma_semaphore, #tpu.memory_space<semaphore_mem>>)
    %dma_wait3A_38 = arith.constant 0 : i32
    %dma_wait3A_39 = tpu.memref_slice %arg4[%add3A_17, %dma_wait3A_38] : memref<16384x256xf32, #tpu.memory_space<hbm>> -> memref<128x256xf32, #tpu.memory_space<hbm>>
    %dma_wait3A_40 = arith.constant 0 : i32
    %dma_wait3A_41 = tpu.memref_slice %arg4[%add3A_17, %dma_wait3A_40] : memref<16384x256xf32, #tpu.memory_space<hbm>> -> memref<128x256xf32, #tpu.memory_space<hbm>>
    tpu.wait_dma2 semaphore(%arg12 : memref<!tpu.dma_semaphore, #tpu.memory_space<semaphore_mem>>) src(%arg6 : memref<128x256xf32, #tpu.memory_space<vmem>>) dst(%dma_wait3A_41 : memref<128x256xf32, #tpu.memory_space<hbm>>)
    %dma_start3A_42 = arith.constant 384 : i32
    %dma_start3A_43 = tpu.memref_slice %arg5[%dma_start3A_42] : memref<512xi32, #tpu.memory_space<vmem>> -> memref<128xi32, #tpu.memory_space<vmem>>
    %dma_start3A_44 = arith.constant 0 : i32
    %dma_start3A_45 = arith.constant 0 : i32
    %dma_start3A_46 = tpu.memref_slice %arg2[%dma_start3A_44, %dma_start3A_45] : memref<1024x256xf32, #tpu.memory_space<hbm>> -> memref<1024x256xf32, #tpu.memory_space<hbm>>
    tpu.enqueue_indirect_dma source(%dma_start3A_46 : memref<1024x256xf32, #tpu.memory_space<hbm>>) target(%arg6 : memref<128x256xf32, #tpu.memory_space<vmem>>) offsets(%dma_start3A_43 : memref<128xi32, #tpu.memory_space<vmem>>) semaphore(%arg9 : memref<!tpu.dma_semaphore, #tpu.memory_space<semaphore_mem>>)
    %dma_wait3A_47 = arith.constant 256 : i32
    %dma_wait3A_48 = tpu.memref_slice %arg5[%dma_wait3A_47] : memref<512xi32, #tpu.memory_space<vmem>> -> memref<128xi32, #tpu.memory_space<vmem>>
    %dma_wait3A_49 = arith.constant 0 : i32
    %dma_wait3A_50 = arith.constant 0 : i32
    %dma_wait3A_51 = tpu.memref_slice %arg2[%dma_wait3A_49, %dma_wait3A_50] : memref<1024x256xf32, #tpu.memory_space<hbm>> -> memref<1024x256xf32, #tpu.memory_space<hbm>>
    tpu.wait_indirect_dma semaphore(%arg11 : memref<!tpu.dma_semaphore, #tpu.memory_space<semaphore_mem>>) src(%dma_wait3A_51 : memref<1024x256xf32, #tpu.memory_space<hbm>>) dst(%arg8 : memref<128x256xf32, #tpu.memory_space<vmem>>)
    %add3A_52 = arith.constant 256 : i32
    %add3A_53 = arith.addi %mul3A_2, %add3A_52 : i32
    %dma_start3A_54 = arith.constant 0 : i32
    %dma_start3A_55 = tpu.memref_slice %arg4[%add3A_53, %dma_start3A_54] : memref<16384x256xf32, #tpu.memory_space<hbm>> -> memref<128x256xf32, #tpu.memory_space<hbm>>
    %dma_start3A_56 = arith.constant 0 : i32
    %dma_start3A_57 = tpu.memref_slice %arg4[%add3A_53, %dma_start3A_56] : memref<16384x256xf32, #tpu.memory_space<hbm>> -> memref<128x256xf32, #tpu.memory_space<hbm>>
    tpu.enqueue_dma source(%arg8 : memref<128x256xf32, #tpu.memory_space<vmem>>) target(%dma_start3A_57 : memref<128x256xf32, #tpu.memory_space<hbm>>) target_semaphore(%arg14 : memref<!tpu.dma_semaphore, #tpu.memory_space<semaphore_mem>>)
    %dma_wait3A_58 = arith.constant 384 : i32
    %dma_wait3A_59 = tpu.memref_slice %arg5[%dma_wait3A_58] : memref<512xi32, #tpu.memory_space<vmem>> -> memref<128xi32, #tpu.memory_space<vmem>>
    %dma_wait3A_60 = arith.constant 0 : i32
    %dma_wait3A_61 = arith.constant 0 : i32
    %dma_wait3A_62 = tpu.memref_slice %arg2[%dma_wait3A_60, %dma_wait3A_61] : memref<1024x256xf32, #tpu.memory_space<hbm>> -> memref<1024x256xf32, #tpu.memory_space<hbm>>
    tpu.wait_indirect_dma semaphore(%arg9 : memref<!tpu.dma_semaphore, #tpu.memory_space<semaphore_mem>>) src(%dma_wait3A_62 : memref<1024x256xf32, #tpu.memory_space<hbm>>) dst(%arg6 : memref<128x256xf32, #tpu.memory_space<vmem>>)
    %add3A_63 = arith.constant 384 : i32
    %add3A_64 = arith.addi %mul3A_2, %add3A_63 : i32
    %dma_start3A_65 = arith.constant 0 : i32
    %dma_start3A_66 = tpu.memref_slice %arg4[%add3A_64, %dma_start3A_65] : memref<16384x256xf32, #tpu.memory_space<hbm>> -> memref<128x256xf32, #tpu.memory_space<hbm>>
    %dma_start3A_67 = arith.constant 0 : i32
    %dma_start3A_68 = tpu.memref_slice %arg4[%add3A_64, %dma_start3A_67] : memref<16384x256xf32, #tpu.memory_space<hbm>> -> memref<128x256xf32, #tpu.memory_space<hbm>>
    tpu.enqueue_dma source(%arg6 : memref<128x256xf32, #tpu.memory_space<vmem>>) target(%dma_start3A_68 : memref<128x256xf32, #tpu.memory_space<hbm>>) target_semaphore(%arg12 : memref<!tpu.dma_semaphore, #tpu.memory_space<semaphore_mem>>)
    %dma_wait3A_69 = arith.constant 0 : i32
    %dma_wait3A_70 = tpu.memref_slice %arg4[%add3A_33, %dma_wait3A_69] : memref<16384x256xf32, #tpu.memory_space<hbm>> -> memref<128x256xf32, #tpu.memory_space<hbm>>
    %dma_wait3A_71 = arith.constant 0 : i32
    %dma_wait3A_72 = tpu.memref_slice %arg4[%add3A_33, %dma_wait3A_71] : memref<16384x256xf32, #tpu.memory_space<hbm>> -> memref<128x256xf32, #tpu.memory_space<hbm>>
    tpu.wait_dma2 semaphore(%arg13 : memref<!tpu.dma_semaphore, #tpu.memory_space<semaphore_mem>>) src(%arg7 : memref<128x256xf32, #tpu.memory_space<vmem>>) dst(%dma_wait3A_72 : memref<128x256xf32, #tpu.memory_space<hbm>>)
    %dma_wait3A_73 = arith.constant 0 : i32
    %dma_wait3A_74 = tpu.memref_slice %arg4[%add3A_53, %dma_wait3A_73] : memref<16384x256xf32, #tpu.memory_space<hbm>> -> memref<128x256xf32, #tpu.memory_space<hbm>>
    %dma_wait3A_75 = arith.constant 0 : i32
    %dma_wait3A_76 = tpu.memref_slice %arg4[%add3A_53, %dma_wait3A_75] : memref<16384x256xf32, #tpu.memory_space<hbm>> -> memref<128x256xf32, #tpu.memory_space<hbm>>
    tpu.wait_dma2 semaphore(%arg14 : memref<!tpu.dma_semaphore, #tpu.memory_space<semaphore_mem>>) src(%arg8 : memref<128x256xf32, #tpu.memory_space<vmem>>) dst(%dma_wait3A_76 : memref<128x256xf32, #tpu.memory_space<hbm>>)
    %dma_wait3A_77 = arith.constant 0 : i32
    %dma_wait3A_78 = tpu.memref_slice %arg4[%add3A_64, %dma_wait3A_77] : memref<16384x256xf32, #tpu.memory_space<hbm>> -> memref<128x256xf32, #tpu.memory_space<hbm>>
    %dma_wait3A_79 = arith.constant 0 : i32
    %dma_wait3A_80 = tpu.memref_slice %arg4[%add3A_64, %dma_wait3A_79] : memref<16384x256xf32, #tpu.memory_space<hbm>> -> memref<128x256xf32, #tpu.memory_space<hbm>>
    tpu.wait_dma2 semaphore(%arg12 : memref<!tpu.dma_semaphore, #tpu.memory_space<semaphore_mem>>) src(%arg6 : memref<128x256xf32, #tpu.memory_space<vmem>>) dst(%dma_wait3A_80 : memref<128x256xf32, #tpu.memory_space<hbm>>)
    return
  }
}

module attributes {stable_mosaic.version = 14 : i64} {
  func.func @_body_a(%arg0: i32, %arg1: memref<1024x768xf32, #tpu.memory_space<vmem>>, %arg2: memref<768x256xf32, #tpu.memory_space<vmem>>, %arg3: memref<1x256xf32, #tpu.memory_space<vmem>>, %arg4: memref<256x1024xf32, #tpu.memory_space<vmem>>, %arg5: memref<1x1024xf32, #tpu.memory_space<vmem>>, %arg6: memref<1024x256xf32, #tpu.memory_space<vmem>>, %arg7: memref<1x1x1024xi32, #tpu.memory_space<vmem>>) attributes {dimension_semantics = [#tpu.dimension_semantics<arbitrary>], iteration_bounds = array<i64: 16>, scalar_prefetch = 0 : i64, scratch_operands = 0 : i64, tpu.core_type = #tpu.core_type<tc>, window_params = [{transform_indices = @transform_0, window_bounds = array<i64: 1024, 768>}, {pipeline_mode = #tpu.pipeline_mode<synchronous>, transform_indices = @transform_1, window_bounds = array<i64: 768, 256>}, {pipeline_mode = #tpu.pipeline_mode<synchronous>, transform_indices = @transform_2, window_bounds = array<i64: 1, 256>}, {pipeline_mode = #tpu.pipeline_mode<synchronous>, transform_indices = @transform_3, window_bounds = array<i64: 256, 1024>}, {pipeline_mode = #tpu.pipeline_mode<synchronous>, transform_indices = @transform_4, window_bounds = array<i64: 1, 1024>}, {transform_indices = @transform_5, window_bounds = array<i64: 1024, 256>}, {transform_indices = @transform_6, window_bounds = array<i64: 1, 1, 1024>}]} {
    %get3A = arith.constant 0 : index
    %get3A_0 = arith.constant 0 : index
    %get3A_1 = vector.load %arg1[%get3A, %get3A_0] : memref<1024x768xf32, #tpu.memory_space<vmem>>, vector<1024x768xf32>
    %get3A_2 = arith.constant 0 : index
    %get3A_3 = arith.constant 0 : index
    %get3A_4 = vector.load %arg2[%get3A_2, %get3A_3] : memref<768x256xf32, #tpu.memory_space<vmem>>, vector<768x256xf32>
    %dot_general3A = arith.constant dense<0.000000e+00> : vector<1024x256xf32>
    %dot_general3A_5 = tpu.matmul %get3A_1, %get3A_4, %dot_general3A {dimension_numbers = #tpu.dot_dimension_numbers<[1], [0], [0], [1], [0, 0, 1, 1], [], []>, transpose_lhs_hint = false} : vector<1024x768xf32>, vector<768x256xf32>, vector<1024x256xf32> -> vector<1024x256xf32>
    %get3A_6 = arith.constant 0 : index
    %get3A_7 = arith.constant 0 : index
    %get3A_8 = vector.load %arg3[%get3A_6, %get3A_7] : memref<1x256xf32, #tpu.memory_space<vmem>>, vector<1x256xf32>
    %add3A = vector.broadcast %get3A_8 : vector<1x256xf32> to vector<1024x256xf32>
    %add3A_9 = arith.addf %dot_general3A_5, %add3A : vector<1024x256xf32>
    %mul3A = arith.mulf %add3A_9, %add3A_9 : vector<1024x256xf32>
    %reduce_sum3A = arith.constant dense<0.000000e+00> : vector<1024xf32>
    %reduce_sum3A_10 = vector.multi_reduction <add>, %mul3A, %reduce_sum3A [1] : vector<1024x256xf32> to vector<1024xf32>
    %broadcast_in_dim3A = vector.shape_cast %reduce_sum3A_10 : vector<1024xf32> to vector<1024x1xf32>
    %get3A_11 = arith.constant 0 : index
    %get3A_12 = arith.constant 0 : index
    %get3A_13 = vector.load %arg4[%get3A_11, %get3A_12] : memref<256x1024xf32, #tpu.memory_space<vmem>>, vector<256x1024xf32>
    %dot_general3A_14 = arith.constant dense<0.000000e+00> : vector<1024x1024xf32>
    %dot_general3A_15 = tpu.matmul %add3A_9, %get3A_13, %dot_general3A_14 {dimension_numbers = #tpu.dot_dimension_numbers<[1], [0], [0], [1], [0, 0, 1, 1], [], []>, transpose_lhs_hint = false} : vector<1024x256xf32>, vector<256x1024xf32>, vector<1024x1024xf32> -> vector<1024x1024xf32>
    %mul3A_16 = arith.constant 2.000000e+00 : f32
    %mul3A_17 = vector.broadcast %mul3A_16 : f32 to vector<1024x1024xf32>
    %mul3A_18 = arith.mulf %mul3A_17, %dot_general3A_15 : vector<1024x1024xf32>
    %sub3A = vector.broadcast %broadcast_in_dim3A : vector<1024x1xf32> to vector<1024x1024xf32>
    %sub3A_19 = arith.subf %sub3A, %mul3A_18 : vector<1024x1024xf32>
    %get3A_20 = arith.constant 0 : index
    %get3A_21 = arith.constant 0 : index
    %get3A_22 = vector.load %arg5[%get3A_20, %get3A_21] : memref<1x1024xf32, #tpu.memory_space<vmem>>, vector<1x1024xf32>
    %add3A_23 = vector.broadcast %get3A_22 : vector<1x1024xf32> to vector<1024x1024xf32>
    %add3A_24 = arith.addf %sub3A_19, %add3A_23 : vector<1024x1024xf32>
    %reduce_min3A = arith.constant dense<0x7F800000> : vector<1024xf32>
    %reduce_min3A_25 = vector.multi_reduction <minimumf>, %add3A_24, %reduce_min3A [1] : vector<1024x1024xf32> to vector<1024xf32>
    %broadcast_in_dim3A_26 = vector.shape_cast %reduce_min3A_25 : vector<1024xf32> to vector<1024x1xf32>
    %iota3A = tpu.iota {dimensions = array<i32: 1>} : vector<1024x1024xi32>
    %eq3A = vector.broadcast %broadcast_in_dim3A_26 : vector<1024x1xf32> to vector<1024x1024xf32>
    %eq3A_27 = arith.cmpf oeq, %add3A_24, %eq3A : vector<1024x1024xf32>
    %jit3A = arith.constant 1024 : i32
    %broadcast_in_dim3A_28 = vector.broadcast %jit3A : i32 to vector<1024x1024xi32>
    %select_n3A = arith.select %eq3A_27, %iota3A, %broadcast_in_dim3A_28 : vector<1024x1024xi1>, vector<1024x1024xi32>
    %reduce_min3A_29 = arith.constant dense<2147483647> : vector<1024xi32>
    %reduce_min3A_30 = vector.multi_reduction <minsi>, %select_n3A, %reduce_min3A_29 [1] : vector<1024x1024xi32> to vector<1024xi32>
    %swap3A = arith.constant 0 : index
    %swap3A_31 = arith.constant 0 : index
    %swap3A_32 = vector.load %arg6[%swap3A, %swap3A_31] : memref<1024x256xf32, #tpu.memory_space<vmem>>, vector<1024x256xf32>
    tpu.vector_store %arg6[%swap3A, %swap3A_31], %add3A_9 {strides = array<i32>} : memref<1024x256xf32, #tpu.memory_space<vmem>>, vector<1024x256xf32>,
    %broadcast_in_dim3A_33 = vector.shape_cast %reduce_min3A_30 : vector<1024xi32> to vector<1x1x1024xi32>
    %swap3A_34 = arith.constant 0 : index
    %swap3A_35 = arith.constant 0 : index
    %swap3A_36 = arith.constant 0 : index
    %swap3A_37 = vector.load %arg7[%swap3A_34, %swap3A_35, %swap3A_36] : memref<1x1x1024xi32, #tpu.memory_space<vmem>>, vector<1x1x1024xi32>
    tpu.vector_store %arg7[%swap3A_34, %swap3A_35, %swap3A_36], %broadcast_in_dim3A_33 {strides = array<i32>} : memref<1x1x1024xi32, #tpu.memory_space<vmem>>, vector<1x1x1024xi32>,
    return
  }
  func.func @transform_0(%arg0: i32) -> (i32, i32) {
    %c0_i32 = arith.constant 0 : i32
    %c0_i32_0 = arith.constant 0 : i32
    return %arg0, %c0_i32 : i32, i32
  }
  func.func @transform_1(%arg0: i32) -> (i32, i32) {
    %c0_i32 = arith.constant 0 : i32
    %c0_i32_0 = arith.constant 0 : i32
    %c0_i32_1 = arith.constant 0 : i32
    return %c0_i32, %c0_i32_0 : i32, i32
  }
  func.func @transform_2(%arg0: i32) -> (i32, i32) {
    %c0_i32 = arith.constant 0 : i32
    %c0_i32_0 = arith.constant 0 : i32
    %c0_i32_1 = arith.constant 0 : i32
    return %c0_i32, %c0_i32_0 : i32, i32
  }
  func.func @transform_3(%arg0: i32) -> (i32, i32) {
    %c0_i32 = arith.constant 0 : i32
    %c0_i32_0 = arith.constant 0 : i32
    %c0_i32_1 = arith.constant 0 : i32
    return %c0_i32, %c0_i32_0 : i32, i32
  }
  func.func @transform_4(%arg0: i32) -> (i32, i32) {
    %c0_i32 = arith.constant 0 : i32
    %c0_i32_0 = arith.constant 0 : i32
    %c0_i32_1 = arith.constant 0 : i32
    return %c0_i32, %c0_i32_0 : i32, i32
  }
  func.func @transform_5(%arg0: i32) -> (i32, i32) {
    %c0_i32 = arith.constant 0 : i32
    %c0_i32_0 = arith.constant 0 : i32
    return %arg0, %c0_i32 : i32, i32
  }
  func.func @transform_6(%arg0: i32) -> (i32, i32, i32) {
    %c0_i32 = arith.constant 0 : i32
    %c0_i32_0 = arith.constant 0 : i32
    %c0_i32_1 = arith.constant 0 : i32
    return %arg0, %c0_i32, %c0_i32_0 : i32, i32, i32
  }
}

module attributes {stable_mosaic.version = 14 : i64} {
  func.func @_body_b(%arg0: i32, %arg1: memref<1024x256xf32, #tpu.memory_space<vmem>>, %arg2: memref<1024x256xf32, #tpu.memory_space<vmem>>, %arg3: memref<1024x256xf32, #tpu.memory_space<vmem>>, %arg4: memref<256x1024xf32, #tpu.memory_space<vmem>>, %arg5: memref<1x1024xf32, #tpu.memory_space<vmem>>, %arg6: memref<256x768xf32, #tpu.memory_space<vmem>>, %arg7: memref<1x768xf32, #tpu.memory_space<vmem>>, %arg8: memref<1024x768xf32, #tpu.memory_space<vmem>>) attributes {dimension_semantics = [#tpu.dimension_semantics<arbitrary>], iteration_bounds = array<i64: 16>, scalar_prefetch = 0 : i64, scratch_operands = 0 : i64, tpu.core_type = #tpu.core_type<tc>, window_params = [{transform_indices = @transform_0, window_bounds = array<i64: 1024, 256>}, {transform_indices = @transform_1, window_bounds = array<i64: 1024, 256>}, {pipeline_mode = #tpu.pipeline_mode<synchronous>, transform_indices = @transform_2, window_bounds = array<i64: 1024, 256>}, {pipeline_mode = #tpu.pipeline_mode<synchronous>, transform_indices = @transform_3, window_bounds = array<i64: 256, 1024>}, {pipeline_mode = #tpu.pipeline_mode<synchronous>, transform_indices = @transform_4, window_bounds = array<i64: 1, 1024>}, {pipeline_mode = #tpu.pipeline_mode<synchronous>, transform_indices = @transform_5, window_bounds = array<i64: 256, 768>}, {pipeline_mode = #tpu.pipeline_mode<synchronous>, transform_indices = @transform_6, window_bounds = array<i64: 1, 768>}, {transform_indices = @transform_7, window_bounds = array<i64: 1024, 768>}]} {
    %get3A = arith.constant 0 : index
    %get3A_0 = arith.constant 0 : index
    %get3A_1 = vector.load %arg1[%get3A, %get3A_0] : memref<1024x256xf32, #tpu.memory_space<vmem>>, vector<1024x256xf32>
    %get3A_2 = arith.constant 0 : index
    %get3A_3 = arith.constant 0 : index
    %get3A_4 = vector.load %arg2[%get3A_2, %get3A_3] : memref<1024x256xf32, #tpu.memory_space<vmem>>, vector<1024x256xf32>
    %sub3A = arith.subf %get3A_1, %get3A_4 : vector<1024x256xf32>
    %mul3A = arith.mulf %sub3A, %sub3A : vector<1024x256xf32>
    %reduce_sum3A = arith.constant dense<0.000000e+00> : vector<1024xf32>
    %reduce_sum3A_5 = vector.multi_reduction <add>, %mul3A, %reduce_sum3A [1] : vector<1024x256xf32> to vector<1024xf32>
    %broadcast_in_dim3A = vector.shape_cast %reduce_sum3A_5 : vector<1024xf32> to vector<1024x1xf32>
    %get3A_6 = arith.constant 0 : index
    %get3A_7 = arith.constant 0 : index
    %get3A_8 = vector.load %arg4[%get3A_6, %get3A_7] : memref<256x1024xf32, #tpu.memory_space<vmem>>, vector<256x1024xf32>
    %dot_general3A = arith.constant dense<0.000000e+00> : vector<1024x1024xf32>
    %dot_general3A_9 = tpu.matmul %sub3A, %get3A_8, %dot_general3A {dimension_numbers = #tpu.dot_dimension_numbers<[1], [0], [0], [1], [0, 0, 1, 1], [], []>, transpose_lhs_hint = false} : vector<1024x256xf32>, vector<256x1024xf32>, vector<1024x1024xf32> -> vector<1024x1024xf32>
    %mul3A_10 = arith.constant 2.000000e+00 : f32
    %mul3A_11 = vector.broadcast %mul3A_10 : f32 to vector<1024x1024xf32>
    %mul3A_12 = arith.mulf %mul3A_11, %dot_general3A_9 : vector<1024x1024xf32>
    %sub3A_13 = vector.broadcast %broadcast_in_dim3A : vector<1024x1xf32> to vector<1024x1024xf32>
    %sub3A_14 = arith.subf %sub3A_13, %mul3A_12 : vector<1024x1024xf32>
    %get3A_15 = arith.constant 0 : index
    %get3A_16 = arith.constant 0 : index
    %get3A_17 = vector.load %arg5[%get3A_15, %get3A_16] : memref<1x1024xf32, #tpu.memory_space<vmem>>, vector<1x1024xf32>
    %add3A = vector.broadcast %get3A_17 : vector<1x1024xf32> to vector<1024x1024xf32>
    %add3A_18 = arith.addf %sub3A_14, %add3A : vector<1024x1024xf32>
    %reduce_min3A = arith.constant dense<0x7F800000> : vector<1024xf32>
    %reduce_min3A_19 = vector.multi_reduction <minimumf>, %add3A_18, %reduce_min3A [1] : vector<1024x1024xf32> to vector<1024xf32>
    %broadcast_in_dim3A_20 = vector.shape_cast %reduce_min3A_19 : vector<1024xf32> to vector<1024x1xf32>
    %iota3A = tpu.iota {dimensions = array<i32: 1>} : vector<1024x1024xi32>
    %eq3A = vector.broadcast %broadcast_in_dim3A_20 : vector<1024x1xf32> to vector<1024x1024xf32>
    %eq3A_21 = arith.cmpf oeq, %add3A_18, %eq3A : vector<1024x1024xf32>
    %jit3A = arith.constant 1024 : i32
    %broadcast_in_dim3A_22 = vector.broadcast %jit3A : i32 to vector<1024x1024xi32>
    %select_n3A = arith.select %eq3A_21, %iota3A, %broadcast_in_dim3A_22 : vector<1024x1024xi1>, vector<1024x1024xi32>
    %reduce_min3A_23 = arith.constant dense<2147483647> : vector<1024xi32>
    %reduce_min3A_24 = vector.multi_reduction <minsi>, %select_n3A, %reduce_min3A_23 [1] : vector<1024x1024xi32> to vector<1024xi32>
    %broadcast_in_dim3A_25 = vector.shape_cast %reduce_min3A_24 : vector<1024xi32> to vector<1024x1xi32>
    %eq3A_26 = vector.broadcast %broadcast_in_dim3A_25 : vector<1024x1xi32> to vector<1024x1024xi32>
    %eq3A_27 = arith.cmpi eq, %iota3A, %eq3A_26 : vector<1024x1024xi32>
    %convert_element_type3A = arith.extui %eq3A_27 : vector<1024x1024xi1> to vector<1024x1024xi32>
    %convert_element_type3A_28 = arith.sitofp %convert_element_type3A : vector<1024x1024xi32> to vector<1024x1024xf32>
    %get3A_29 = arith.constant 0 : index
    %get3A_30 = arith.constant 0 : index
    %get3A_31 = vector.load %arg3[%get3A_29, %get3A_30] : memref<1024x256xf32, #tpu.memory_space<vmem>>, vector<1024x256xf32>
    %dot_general3A_32 = arith.constant dense<0.000000e+00> : vector<1024x256xf32>
    %dot_general3A_33 = tpu.matmul %convert_element_type3A_28, %get3A_31, %dot_general3A_32 {dimension_numbers = #tpu.dot_dimension_numbers<[1], [0], [0], [1], [0, 0, 1, 1], [], []>, transpose_lhs_hint = false} : vector<1024x1024xf32>, vector<1024x256xf32>, vector<1024x256xf32> -> vector<1024x256xf32>
    %add3A_34 = arith.addf %get3A_4, %dot_general3A_33 : vector<1024x256xf32>
    %sub3A_35 = arith.subf %add3A_34, %get3A_1 : vector<1024x256xf32>
    %add3A_36 = arith.addf %get3A_1, %sub3A_35 : vector<1024x256xf32>
    %get3A_37 = arith.constant 0 : index
    %get3A_38 = arith.constant 0 : index
    %get3A_39 = vector.load %arg6[%get3A_37, %get3A_38] : memref<256x768xf32, #tpu.memory_space<vmem>>, vector<256x768xf32>
    %dot_general3A_40 = arith.constant dense<0.000000e+00> : vector<1024x768xf32>
    %dot_general3A_41 = tpu.matmul %add3A_36, %get3A_39, %dot_general3A_40 {dimension_numbers = #tpu.dot_dimension_numbers<[1], [0], [0], [1], [0, 0, 1, 1], [], []>, transpose_lhs_hint = false} : vector<1024x256xf32>, vector<256x768xf32>, vector<1024x768xf32> -> vector<1024x768xf32>
    %get3A_42 = arith.constant 0 : index
    %get3A_43 = arith.constant 0 : index
    %get3A_44 = vector.load %arg7[%get3A_42, %get3A_43] : memref<1x768xf32, #tpu.memory_space<vmem>>, vector<1x768xf32>
    %add3A_45 = vector.broadcast %get3A_44 : vector<1x768xf32> to vector<1024x768xf32>
    %add3A_46 = arith.addf %dot_general3A_41, %add3A_45 : vector<1024x768xf32>
    %swap3A = arith.constant 0 : index
    %swap3A_47 = arith.constant 0 : index
    %swap3A_48 = vector.load %arg8[%swap3A, %swap3A_47] : memref<1024x768xf32, #tpu.memory_space<vmem>>, vector<1024x768xf32>
    tpu.vector_store %arg8[%swap3A, %swap3A_47], %add3A_46 {strides = array<i32>} : memref<1024x768xf32, #tpu.memory_space<vmem>>, vector<1024x768xf32>,
    return
  }
  func.func @transform_0(%arg0: i32) -> (i32, i32) {
    %c0_i32 = arith.constant 0 : i32
    %c0_i32_0 = arith.constant 0 : i32
    return %arg0, %c0_i32 : i32, i32
  }
  func.func @transform_1(%arg0: i32) -> (i32, i32) {
    %c0_i32 = arith.constant 0 : i32
    %c0_i32_0 = arith.constant 0 : i32
    return %arg0, %c0_i32 : i32, i32
  }
  func.func @transform_2(%arg0: i32) -> (i32, i32) {
    %c0_i32 = arith.constant 0 : i32
    %c0_i32_0 = arith.constant 0 : i32
    %c0_i32_1 = arith.constant 0 : i32
    return %c0_i32, %c0_i32_0 : i32, i32
  }
  func.func @transform_3(%arg0: i32) -> (i32, i32) {
    %c0_i32 = arith.constant 0 : i32
    %c0_i32_0 = arith.constant 0 : i32
    %c0_i32_1 = arith.constant 0 : i32
    return %c0_i32, %c0_i32_0 : i32, i32
  }
  func.func @transform_4(%arg0: i32) -> (i32, i32) {
    %c0_i32 = arith.constant 0 : i32
    %c0_i32_0 = arith.constant 0 : i32
    %c0_i32_1 = arith.constant 0 : i32
    return %c0_i32, %c0_i32_0 : i32, i32
  }
  func.func @transform_5(%arg0: i32) -> (i32, i32) {
    %c0_i32 = arith.constant 0 : i32
    %c0_i32_0 = arith.constant 0 : i32
    %c0_i32_1 = arith.constant 0 : i32
    return %c0_i32, %c0_i32_0 : i32, i32
  }
  func.func @transform_6(%arg0: i32) -> (i32, i32) {
    %c0_i32 = arith.constant 0 : i32
    %c0_i32_0 = arith.constant 0 : i32
    %c0_i32_1 = arith.constant 0 : i32
    return %c0_i32, %c0_i32_0 : i32, i32
  }
  func.func @transform_7(%arg0: i32) -> (i32, i32) {
    %c0_i32 = arith.constant 0 : i32
    %c0_i32_0 = arith.constant 0 : i32
    return %arg0, %c0_i32 : i32, i32
  }
}

</mosaic_0001>

<sc_bundles>
// kernel: _run.5.cloned.1.call-start
scs
__scs_entry_jumppad:
0x0: {  	(pc) =	sbr.rel $0x88, $3  }
0x1: {  	(tag) =	ssettag $0x0;
	lr =	simm.s32 $0x1  }
0x2: {  	[smem:$0x3F99] =	sst lr;
	_ =	strace $0xD0000000  }
0x3: {  	_ = 	snop  }
0x4: {  	_ = 	snop  }
0x5: {  	_ = 	snop  }
0x6: {  	_ = 	snop  }
0x7: {  	_ = 	snop  }
__scs_overlays_trampoline_lowered:
0x8: {  	[smem:$0x3FA8] =	sst s0  }
0x9: {  	[smem:$0x3FA9] =	sst s1  }
0xa: {  	[smem:$0x3FAA] =	sst s2  }
0xb: {  	[smem:$0x3FAB] =	sst s3  }
0xc: {  	[smem:$0x3FAC] =	sst s4  }
0xd: {  	[smem:$0x3FAD] =	sst s5  }
0xe: {  	[smem:$0x3FAE] =	sst s6  }
0xf: {  	[smem:$0x3FAF] =	sst s7  }
0x10: {  	[smem:$0x3FB0] =	sst s8  }
0x11: {  	[smem:$0x3FB1] =	sst s9;
	s0 =	simm.s32 @!p0 $0x0  }
0x12: {  	s1 =	sld [smem:$0x3F97];
	s0 =	simm.s32 @p0 $0x1  }
0x13: {  	[smem:$0x3FB2] =	sst s0;
	s0 =	simm.s32 @!p1 $0x0  }
0x14: {  	s2 =	sld [smem:$0x3F96];
	s0 =	simm.s32 @p1 $0x1  }
0x15: {  	[smem:$0x3FB3] =	sst s0;
	s0 =	simm.s32 @!p2 $0x0  }
0x16: {  	s3 =	sld [smem:$0x3FDB];
	s0 =	simm.s32 @p2 $0x1  }
0x17: {  	s4 =	simm.s32 $0x1BF5;
	[smem:$0x3FB5] =	sst s0  }
0x18: {  	s0 =	sld [smem:$0x3F98];
	_ =	swait.ge [sflag:s4], $0x0  }
0x19: {  	s7 =	sld [smem:$0x3F99]  }
0x1a: {  	s8 =	sadd.s32 $0xFFFFE003, lr  }
0x1b: {  	s9 =	sadd.s32 $0xFFFFFEF7, lr;
	s5 =	simm.s32 $0xFFFFFFFF;
	p2 =	slt.u32 s8, $0xFFFFF086  }
0x1c: {  	p1 =	slt.u32 s9, $0xF7A;
	s5 =	simm.s32 @!p2 $0x0  }
0x1d: {  	s5 =	simm.s32 @p1 $0x1;
	p0 =	seq.s32 s7, s2  }
0x1e: {  	s7 =	smul.u32 @!p0 $0xF7A, s2;
	p2 =	seq.s32 @!p0 s5, $0x0  }
0x1f: {  	s9 =	smul.u32 $0xF7A, s1;
	s8 =	simm.s32 @!p0 $0x1BF5;
	p2 =	por !p2, p0  }
0x20: {  	[sflag:s8] =	ssyncset.s32 @!p0 $0xFFFFF086;
	s6 =	sadd.s32 @!p0 s3, s7;
	s7 =	simm.s32 @!p0 $0x108  }
0x21: {  	s3 =	sadd.s32 s3, s9;
	s6 =	sadd.s32 @!p0 $0x88, s6;
	s7 =	simm.s32 @p2 $0x1082  }
0x22: {  	[simem:s7], [sflag:s8] =	dma.local @!p0 [hbm:s6], $0xF7A  }
0x23: {  	s9 =	sor.u32 $0xD0000000, s2;
	s6 =	simm.s32 $0x108;
	_ =	swait.ge @!p0 [sflag:s8], $0x0  }
0x24: {  	s3 =	sadd.s32 $0x88, s3;
	s6 =	simm.s32 @!p1 $0x1082;
	[sflag:s4] =	ssyncset.s32 $0xFFFFF086  }
0x25: {  	[simem:s6], [sflag:s4] =	dma.local [hbm:s3], $0xF7A  }
0x26: {  	[smem:$0x3F99] =	sst s1;
	(tag) =	ssettag s2;
	_ =	strace s9  }
0x27: {  	s1 =	sld [smem:$0x3FA9]  }
0x28: {  	s2 =	sld [smem:$0x3FAA]  }
0x29: {  	s4 =	sld [smem:$0x3FAC]  }
0x2a: {  	p0 =	seq.s32 s5, $0x0;
	s5 =	sld [smem:$0x3FAD]  }
0x2b: {  	s6 =	sld [smem:$0x3FAE]  }
0x2c: {  	s7 =	sld [smem:$0x3FAF]  }
0x2d: {  	s3 =	simm.s32 $0x108;
	s8 =	sld [smem:$0x3FB0]  }
0x2e: {  	s3 =	simm.s32 @!p0 $0x1082;
	s9 =	sld [smem:$0x3FB1]  }
0x2f: {  	lr =	sadd.s32 s0, s3;
	s0 =	sld [smem:$0x3FA8]  }
0x30: {  	s3 =	sld [smem:$0x3FAB]  }
0x31: {  	[smem:$0x3FB4] =	sst s10  }
0x32: {  	s10 =	sld [smem:$0x3FB2];
	_ =	sdelay $0x3  }
0x33: {  	p0 =	seq.s32 s10, $0x1;
	s10 =	sld [smem:$0x3FB4];
	_ =	sdelay $0x3  }
0x34: {  	[smem:$0x3FB4] =	sst s10  }
0x35: {  	s10 =	sld [smem:$0x3FB3];
	_ =	sdelay $0x3  }
0x36: {  	p1 =	seq.s32 s10, $0x1;
	s10 =	sld [smem:$0x3FB4];
	_ =	sdelay $0x3  }
0x37: {  	[smem:$0x3FB4] =	sst s10  }
0x38: {  	s10 =	sld [smem:$0x3FB5]  }
0x39: {  	_ = 	snop;
	(pc) =	sbr.ind lr, $3  }
0x3a: {  	_ = 	snop  }
0x3b: {  	_ = 	snop  }
0x3c: {  	p2 =	seq.s32 s10, $0x1;
	s10 =	sld [smem:$0x3FB4]  }
0x3d: {  	_ =	shalt  }
0x3e: {  	_ =	shalt  }
0x3f: {  	_ =	shalt  }
0x40: {  	_ =	shalt  }
0x41: {  	_ =	shalt  }
0x42: {  	_ =	shalt  }
0x43: {  	_ =	shalt  }
0x44: {  	_ =	shalt  }
0x45: {  	_ =	shalt  }
0x46: {  	_ =	shalt  }
0x47: {  	_ =	shalt  }
0x48: {  	_ =	shalt  }
0x49: {  	_ =	shalt  }
0x4a: {  	_ =	shalt  }
0x4b: {  	_ =	shalt  }
0x4c: {  	_ =	shalt  }
0x4d: {  	_ =	shalt  }
0x4e: {  	_ =	shalt  }
0x4f: {  	_ =	shalt  }
0x50: {  	_ =	shalt  }
0x51: {  	_ =	shalt  }
0x52: {  	_ =	shalt  }
0x53: {  	_ =	shalt  }
0x54: {  	_ =	shalt  }
0x55: {  	_ =	shalt  }
0x56: {  	_ =	shalt  }
0x57: {  	_ =	shalt  }
0x58: {  	_ =	shalt  }
0x59: {  	_ =	shalt  }
0x5a: {  	_ =	shalt  }
0x5b: {  	_ =	shalt  }
0x5c: {  	_ =	shalt  }
0x5d: {  	_ =	shalt  }
0x5e: {  	_ =	shalt  }
0x5f: {  	_ =	shalt  }
0x60: {  	_ =	shalt  }
0x61: {  	_ =	shalt  }
0x62: {  	_ =	shalt  }
0x63: {  	_ =	shalt  }
0x64: {  	_ =	shalt  }
0x65: {  	_ =	shalt  }
0x66: {  	_ =	shalt  }
0x67: {  	_ =	shalt  }
0x68: {  	_ =	shalt  }
0x69: {  	_ =	shalt  }
0x6a: {  	_ =	shalt  }
0x6b: {  	_ =	shalt  }
0x6c: {  	_ =	shalt  }
0x6d: {  	_ =	shalt  }
0x6e: {  	_ =	shalt  }
0x6f: {  	_ =	shalt  }
0x70: {  	_ =	shalt  }
0x71: {  	_ =	shalt  }
0x72: {  	_ =	shalt  }
0x73: {  	_ =	shalt  }
0x74: {  	_ =	shalt  }
0x75: {  	_ =	shalt  }
0x76: {  	_ =	shalt  }
0x77: {  	_ =	shalt  }
0x78: {  	_ =	shalt  }
0x79: {  	_ =	shalt  }
0x7a: {  	_ =	shalt  }
0x7b: {  	_ =	shalt  }
0x7c: {  	_ =	shalt  }
0x7d: {  	_ =	shalt  }
0x7e: {  	_ =	shalt  }
0x7f: {  	_ =	shalt  }
0x80: {  	_ =	shalt  }
0x81: {  	_ =	shalt  }
0x82: {  	_ =	shalt  }
0x83: {  	_ =	shalt  }
0x84: {  	_ =	shalt  }
0x85: {  	_ =	shalt  }
0x86: {  	_ =	shalt  }
0x87: {  	_ =	shalt  }
.Lfunc_end0:
.L_simem_size_0:
called_computation_lowered:
.L_overlay_start_0:
0x88: {  	s2 =	sld [smem:$0x3FD9]  }
0x89: {  	s3 =	sld [smem:$0x3FFE];
	_ =	sdelay $0x1  }
0x8a: {  	s1 =	srdreg.scid  }
0x8b: {  	s0 =	sand.u32 $0x1, s1  }
0x8c: {  	s16 =	sshll.u32 s0, $0xA;
	s2 =	sadd.s32 s3, s2  }
0x8d: {  	s2 =	sadd.s32 s2, s16  }
0x8e: {  	[smem:$0x3FC0] =	sst s2  }
0x8f: {  	_ = 	snop  }
0x90: {  	(tm) =	ssettm $0x1  }
0x91: {  	s17 =	sld [smem:$0x3FFB];
	_ =	sdelay $0x3  }
0x92: {  	_ =	strace s17  }
0x93: {  	s2 =	sld [smem:$0x3FFC];
	_ =	sdelay $0x3  }
0x94: {  	_ =	strace s2  }
0x95: {  	s2 =	sld [smem:$0x3FFD];
	_ =	sdelay $0x3  }
0x96: {  	_ =	strace s2  }
0x97: {  	_ =	strace $0x8FFFFFFF  }
0x98: {  	s18 =	sld [smem:$0x3FDB];
	_ =	sdelay $0x1  }
0x99: {  	s19 =	simm.s32 $_scs_section_size  }
0x9a: {  	s4 =	simm.s32 $_size__tile_overlayer_lowered;
	s5 =	simm.s32 $_tile_overlayer_lowered  }
0x9b: {  	s22 =	simm.s32 $0x1BFF;
	s21 =	sshll.u32 s5, $0x1;
	s2 =	sadd.s32 s19, s18  }
0x9c: {  	s6 =	simm.s32 $0x0;
	s20 =	sshll.u32 s4, $0x1;
	s4 =	sadd.s32 s21, s2  }
0x9d: {  	[timem:s6], [sflag:s22] =	dma.local [hbm:s4], s20  }
0x9e: {  	_ =	swait.ge [sflag:s22], s20  }
0x9f: {  	s3 =	ssub.s32 $0x0, s20;
	[sflag:s22] =	ssyncset.done $0x0  }
0xa0: {  	[sflag:s22] =	ssyncadd.s32 s3;
	_ =	sdelay $0x1  }
0xa1: {  	s23 =	simm.s32 $0x1B8B  }
0xa2: {  	_ =	swait.ge [sflag:s23], $0x1  }
0xa3: {  	[sflag:s23] =	ssyncset.done $0x0  }
0xa4: {  	s25 =	simm.s32 $0x1B8E;
	s24 =	sld [smem:$0x3FFE];
	[sflag:s23] =	ssyncadd.s32 $0xFFFFFFFF  }
0xa5: {  	s26 =	simm.s32 $execute0_lowered;
	[smem:$0x3FD2] =	sst s25  }
0xa6: {  	s4 =	sshll.u32 s26, $0x1;
	_ =	strace $0x80000046;
	[dreg:$0x1] =	wrdreg $0xFFFFFFFF  }
0xa7: {  	s28 =	simm.s32 $_size_execute0_lowered;
	s2 =	sadd.s32 s2, s4;
	[dreg:$0x0] =	wrdreg $0x0  }
0xa8: {  	s4 =	sshll.u32 s28, $0x1;
	[dreg:$0x2] =	wrdreg s2  }
0xa9: {  	[dreg:$0x3] =	wrdreg s4  }
0xaa: {  	[dreg:$0x4] =	wrdreg $0xC0  }
0xab: {  	_ =	task [dreg:s6], $0x5FFFF  }
0xac: {  	[dreg:$0x1] =	wrdreg $0xFFFFFFFF  }
0xad: {  	[dreg:$0x0] =	wrdreg $0x60  }
0xae: {  	[dreg:$0x2] =	wrdreg s24  }
0xaf: {  	[dreg:$0x3] =	wrdreg $0x9  }
0xb0: {  	_ =	task.clear_ibuf [dreg:s6], $0x4FFFF;
	_ =	strace $0x90000046  }
0xb1: {  	s29 =	simm.s32 $0x9;
	_ =	strace $0x80000048  }
0xb2: {  	_ =	swait.ge [sflag:s29], $0x1  }
0xb3: {  	[sflag:s29] =	ssyncadd.s32 $0xFFFFFFFF  }
0xb4: {  	_ =	strace $0x90000048  }
0xb5: {  	_ =	sfence  }
0xb6: {  	s30 =	sld [smem:$0x0];
	_ =	sdelay $0x2  }
0xb7: {  	s31 =	sshll.u32 s1, $0xD;
	s1 =	sshrl.u32 s1, $0x2  }
0xb8: {  	s3 =	sand.u32 $0x4000, s31;
	s1 =	sadd.s32 s1, s30  }
0xb9: {  	s0 =	sor.u32 s3, s0;
	s1 =	sshll.u32 s1, $0x11  }
0xba: {  	s0 =	sor.u32 s1, s0  }
0xbb: {  	s0 =	sadd.s32 $0x8F2B, s0  }
0xbc: {  	[sflag:s0] =	ssyncadd.remote.s32 $0x1  }
0xbd: {  	_ =	sfence.sel $0xFFFF  }
0xbe: {  	[dreg:$0x0] =	wrdreg $0xFFFFFFFF;
	(pc) =	sbr.abs _section_cstart, $3  }
0xbf: {  	[dreg:$0x1] =	wrdreg $0xFFFFFFFF  }
0xc0: {  	_ =	task.clear_ibuf [dreg:s6], $0x2FFFF;
	_ =	strace $0x9FFFFFFF  }
0xc1: {  	(tm) =	ssettm $0x7FFFFFFF  }
tec
execute0_lowered:
.L_overlay_start_1:
0x0: {  	(tag) =	ssettag $0x1  }
0x1: {  	s1 =	srdreg.scid  }
0x2: {  	s0 =	stileid.u32;
	s1 =	sand.u32 $0x1, s1  }
0x3: {  	s2 =	sshll.u32 s0, $0xA;
	s3 =	sshll.u32 s1, $0x9  }
0x4: {  	s4 =	rddreg [dreg:$0x0];
	s3 =	sor.u32 s3, s2;
	s2 =	simm.s32 $0x0  }
0x5: {  	s20 =	simm.s32 $0x8A00;
	[smem:$0x7FF] =	sst s2  }
0x6: {  	s21 =	simm.s32 $0x9200;
	_ =	strace $0x80000047;
	[dreg:$0x7] =	wrdreg s20  }
0x7: {  	s22 =	simm.s32 $0x9A00;
	[dreg:$0x8] =	wrdreg s21  }
0x8: {  	s23 =	simm.s32 $0xA200;
	s24 =	simm.s32 $0xAA00;
	[dreg:$0x9] =	wrdreg s22  }
0x9: {  	s25 =	simm.s32 $0xB200;
	s6 =	simm.s32 $0xC200;
	[dreg:$0xa] =	wrdreg s23  }
0xa: {  	s7 =	simm.s32 $0xCA00;
	s8 =	simm.s32 $0xD200;
	[dreg:$0xb] =	wrdreg s24  }
0xb: {  	s9 =	simm.s32 $0xDA00;
	s0 =	simm.s32 $0xBA00;
	[dreg:$0xc] =	wrdreg s25  }
0xc: {  	s10 =	simm.s32 $0xE200;
	s11 =	simm.s32 $0xEA00;
	[dreg:$0xd] =	wrdreg s0  }
0xd: {  	s12 =	simm.s32 $0xF200;
	s13 =	simm.s32 $0xFA00;
	[dreg:$0xe] =	wrdreg s6  }
0xe: {  	s14 =	simm.s32 $0x10A00;
	s15 =	simm.s32 $0x11200;
	[dreg:$0xf] =	wrdreg s7  }
0xf: {  	s16 =	simm.s32 $0x11A00;
	s28 =	simm.s32 $0x2;
	[dreg:$0x10] =	wrdreg s8  }
0x10: {  	s29 =	simm.s32 $0x4;
	s30 =	simm.s32 $0x3;
	[dreg:$0x11] =	wrdreg s9  }
0x11: {  	s31 =	simm.s32 $0x5;
	s1 =	ssub.s32 $0x2, s1;
	[dreg:$0x12] =	wrdreg s10  }
0x12: {  	s26 =	sshrl.u32 s1, $0x1;
	s5 =	sshrl.u32 s3, $0x3;
	[dreg:$0x13] =	wrdreg s11  }
0x13: {  	s3 =	sshll.u32 s3, $0x5;
	s1 =	ssub.s32 s1, s26;
	[dreg:$0x14] =	wrdreg s12  }
0x14: {  	s26 =	simm.s32 $0x16A00;
	s5 =	sadd.s32 s5, s4;
	[dreg:$0x15] =	wrdreg s13  }
0x15: {  	s3 =	sadd.s32 s3, s4;
	s6 =	simm.s32 $0x200;
	[dreg:$0x16] =	wrdreg s14  }
0x16: {  	s7 =	simm.s32 $0xA00;
	s8 =	simm.s32 $0x1200;
	[dreg:$0x17] =	wrdreg s15  }
0x17: {  	s9 =	simm.s32 $0x1A00;
	s10 =	simm.s32 $0x2200;
	[dreg:$0x18] =	wrdreg s16  }
0x18: {  	s11 =	simm.s32 $0x2A00;
	s20 =	simm.s32 $0x13A00;
	[smem:$0x7FD] =	sst s26  }
0x19: {  	s12 =	simm.s32 $0x3200;
	s21 =	simm.s32 $0x14200;
	[dreg:$0x1c] =	wrdreg s20  }
0x1a: {  	s13 =	simm.s32 $0x3A00;
	s22 =	simm.s32 $0x14A00;
	[dreg:$0x1d] =	wrdreg s21  }
0x1b: {  	s14 =	simm.s32 $0x4200;
	s23 =	simm.s32 $0x15200;
	[dreg:$0x1e] =	wrdreg s22  }
0x1c: {  	s15 =	simm.s32 $0x4A00;
	s24 =	simm.s32 $0x15A00;
	[dreg:$0x1f] =	wrdreg s23  }
0x1d: {  	s16 =	simm.s32 $0x5200;
	s25 =	simm.s32 $0x16200;
	[smem:$0x7FB] =	sst s24  }
0x1e: {  	s26 =	simm.s32 $0x17A00;
	s5 =	sadd.s32 $0x9A00, s5;
	[smem:$0x7FC] =	sst s25  }
0x1f: {  	s17 =	sadd.s32 $0xA200, s3;
	s18 =	sadd.s32 $0xB200, s3;
	[dreg:$0x2] =	wrdreg s5  }
0x20: {  	s19 =	sadd.s32 $0xC200, s3;
	s3 =	sadd.s32 $0xD200, s3;
	[dreg:$0x3] =	wrdreg s17  }
0x21: {  	s20 =	simm.s32 $0x7200;
	s21 =	simm.s32 $0x7A00;
	[dreg:$0x4] =	wrdreg s18  }
0x22: {  	s22 =	simm.s32 $0x8200;
	s23 =	simm.s32 $0x1;
	[dreg:$0x5] =	wrdreg s19  }
0x23: {  	s24 =	simm.s32 $0x10200;
	[dreg:$0x6] =	wrdreg s3;
	s3 =	sadd.s32 $0x1A00, s4  }
0x24: {  	s4 =	smax.u32 s1, $0x1;
	s5 =	simm.s32 $0x7;
	s17 =	simm.s32 $0x12200  }
0x25: {  	v2 =	vlaneseq.u32;
	s18 =	simm.s32 $0x12A00;
	s19 =	simm.s32 $0x13200;
	[dreg:$0x19] =	wrdreg s17  }
0x26: {  	vm0 =	vmmov $0xffff;
	v1 =	vshrl.u32 v2, $0x3;
	s1 =	simm.s32 $0x6;
	[dreg:$0x1a] =	wrdreg s18;
	s17 =	simm.s32 $0x5A00  }
0x27: {  	v0 =	vand.u32 $0x7, v2;
	v2 =	vor.u32 $0x8, v2;
	v1 =	vmul.u32 $0x8, v1;
	[dreg:$0x1b] =	wrdreg s19;
	s18 =	simm.s32 $0x6200;
	s19 =	simm.s32 $0x6A00  }
.LBB2_1:
0x28: {  	s0 =	rddreg [dreg:$0x2]  }
0x29: {  	[tilespmem:s2], [sflag:$0x7] =	stream.linear.gather [hbm4b:s0+s2], $0x200, $0x38;
	[tilespmem:$0x18200] =	vst v63  }
0x2a: {  	_ =	swait.ge [sflag:s5], $0x200  }
0x2b: {  	[sflag:s5] =	ssyncset.done $0x0  }
0x2c: {  	[sflag:s5] =	ssyncadd.s32 $0xFFFFFE00  }
0x2d: {  	v3 =	vld [tilespmem:$0x0];
	_ =	sdelay $0x4  }
0x2e: {  	v4 =	vshll.u32 v3, $0x1  }
0x2f: {  	v3 =	vand.u32 $0x7, v3;
	v4 =	vand.u32 $0xFFFFFFF0, v4  }
0x30: {  	v3 =	vor.u32 v3, v4  }
0x31: {  	v4 =	vperm.xlane v3, v0;
	_ =	sdelay $0x1  }
0x32: {  	v3 =	vperm.xlane v3, v2;
	v4 =	vadd.s32 v1, v4;
	_ =	sdelay $0x1  }
0x33: {  	v3 =	vadd.s32 v1, v3;
	_ =	sdelay $0x2  }
0x34: {  	[tilespmem:s6], [sflag:$0x1] =	stream.indirect_vreg.gather [hbm4b:s3+s2], $0x80, v4, vm0, $0xb8;
	[tilespmem:$0x18200] =	vst v63  }
0x35: {  	_ = 	snop  }
0x36: {  	[tilespmem:s7], [sflag:$0x1] =	stream.indirect_vreg.gather [hbm4b:s3+s2], $0x80, v3, vm0, $0xb8;
	[tilespmem:$0x18200] =	vst v63  }
0x37: {  	v3 =	vld [tilespmem:$0x10];
	_ =	sdelay $0x4  }
0x38: {  	v33 =	vshll.u32 v3, $0x1  }
0x39: {  	v3 =	vand.u32 $0x7, v3;
	v4 =	vand.u32 $0xFFFFFFF0, v33  }
0x3a: {  	v3 =	vor.u32 v3, v4  }
0x3b: {  	v4 =	vperm.xlane v3, v0;
	_ =	sdelay $0x1  }
0x3c: {  	v3 =	vperm.xlane v3, v2;
	v4 =	vadd.s32 v1, v4;
	_ =	sdelay $0x1  }
0x3d: {  	v3 =	vadd.s32 v1, v3;
	_ =	sdelay $0x2  }
0x3e: {  	[tilespmem:s8], [sflag:$0x1] =	stream.indirect_vreg.gather [hbm4b:s3+s2], $0x80, v4, vm0, $0xb8;
	[tilespmem:$0x18200] =	vst v63  }
0x3f: {  	_ = 	snop  }
0x40: {  	[tilespmem:s9], [sflag:$0x1] =	stream.indirect_vreg.gather [hbm4b:s3+s2], $0x80, v3, vm0, $0xb8;
	[tilespmem:$0x18200] =	vst v63  }
0x41: {  	v3 =	vld [tilespmem:$0x20];
	_ =	sdelay $0x4  }
0x42: {  	v34 =	vshll.u32 v3, $0x1  }
0x43: {  	v3 =	vand.u32 $0x7, v3;
	v4 =	vand.u32 $0xFFFFFFF0, v34  }
0x44: {  	v3 =	vor.u32 v3, v4  }
0x45: {  	v4 =	vperm.xlane v3, v0;
	_ =	sdelay $0x1  }
0x46: {  	v3 =	vperm.xlane v3, v2;
	v4 =	vadd.s32 v1, v4;
	_ =	sdelay $0x1  }
0x47: {  	v3 =	vadd.s32 v1, v3;
	_ =	sdelay $0x2  }
0x48: {  	[tilespmem:s10], [sflag:$0x1] =	stream.indirect_vreg.gather [hbm4b:s3+s2], $0x80, v4, vm0, $0xb8;
	[tilespmem:$0x18200] =	vst v63  }
0x49: {  	_ = 	snop  }
0x4a: {  	[tilespmem:s11], [sflag:$0x1] =	stream.indirect_vreg.gather [hbm4b:s3+s2], $0x80, v3, vm0, $0xb8;
	[tilespmem:$0x18200] =	vst v63  }
0x4b: {  	v3 =	vld [tilespmem:$0x30];
	_ =	sdelay $0x4  }
0x4c: {  	v35 =	vshll.u32 v3, $0x1  }
0x4d: {  	v3 =	vand.u32 $0x7, v3;
	v4 =	vand.u32 $0xFFFFFFF0, v35  }
0x4e: {  	v3 =	vor.u32 v3, v4  }
0x4f: {  	v4 =	vperm.xlane v3, v0;
	_ =	sdelay $0x1  }
0x50: {  	v3 =	vperm.xlane v3, v2;
	v4 =	vadd.s32 v1, v4;
	_ =	sdelay $0x1  }
0x51: {  	v3 =	vadd.s32 v1, v3;
	_ =	sdelay $0x2  }
0x52: {  	[tilespmem:s12], [sflag:$0x1] =	stream.indirect_vreg.gather [hbm4b:s3+s2], $0x80, v4, vm0, $0xb8;
	[tilespmem:$0x18200] =	vst v63  }
0x53: {  	_ = 	snop  }
0x54: {  	[tilespmem:s13], [sflag:$0x1] =	stream.indirect_vreg.gather [hbm4b:s3+s2], $0x80, v3, vm0, $0xb8;
	[tilespmem:$0x18200] =	vst v63  }
0x55: {  	v3 =	vld [tilespmem:$0x40];
	_ =	sdelay $0x4  }
0x56: {  	v36 =	vshll.u32 v3, $0x1  }
0x57: {  	v3 =	vand.u32 $0x7, v3;
	v4 =	vand.u32 $0xFFFFFFF0, v36  }
0x58: {  	v3 =	vor.u32 v3, v4  }
0x59: {  	v4 =	vperm.xlane v3, v0;
	_ =	sdelay $0x1  }
0x5a: {  	v3 =	vperm.xlane v3, v2;
	v4 =	vadd.s32 v1, v4;
	_ =	sdelay $0x1  }
0x5b: {  	v3 =	vadd.s32 v1, v3;
	_ =	sdelay $0x2  }
0x5c: {  	[tilespmem:s14], [sflag:$0x1] =	stream.indirect_vreg.gather [hbm4b:s3+s2], $0x80, v4, vm0, $0xb8;
	[tilespmem:$0x18200] =	vst v63  }
0x5d: {  	_ = 	snop  }
0x5e: {  	[tilespmem:s15], [sflag:$0x1] =	stream.indirect_vreg.gather [hbm4b:s3+s2], $0x80, v3, vm0, $0xb8;
	[tilespmem:$0x18200] =	vst v63  }
0x5f: {  	v3 =	vld [tilespmem:$0x50];
	_ =	sdelay $0x4  }
0x60: {  	v37 =	vshll.u32 v3, $0x1  }
0x61: {  	v3 =	vand.u32 $0x7, v3;
	v4 =	vand.u32 $0xFFFFFFF0, v37  }
0x62: {  	v3 =	vor.u32 v3, v4  }
0x63: {  	v4 =	vperm.xlane v3, v0;
	_ =	sdelay $0x1  }
0x64: {  	v3 =	vperm.xlane v3, v2;
	v4 =	vadd.s32 v1, v4;
	_ =	sdelay $0x1  }
0x65: {  	v3 =	vadd.s32 v1, v3;
	_ =	sdelay $0x2  }
0x66: {  	[tilespmem:s16], [sflag:$0x1] =	stream.indirect_vreg.gather [hbm4b:s3+s2], $0x80, v4, vm0, $0xb8;
	[tilespmem:$0x18200] =	vst v63  }
0x67: {  	_ = 	snop  }
0x68: {  	[tilespmem:s17], [sflag:$0x1] =	stream.indirect_vreg.gather [hbm4b:s3+s2], $0x80, v3, vm0, $0xb8;
	[tilespmem:$0x18200] =	vst v63  }
0x69: {  	v3 =	vld [tilespmem:$0x60];
	_ =	sdelay $0x4  }
0x6a: {  	v38 =	vshll.u32 v3, $0x1  }
0x6b: {  	v3 =	vand.u32 $0x7, v3;
	v4 =	vand.u32 $0xFFFFFFF0, v38  }
0x6c: {  	v3 =	vor.u32 v3, v4  }
0x6d: {  	v4 =	vperm.xlane v3, v0;
	_ =	sdelay $0x1  }
0x6e: {  	v3 =	vperm.xlane v3, v2;
	v4 =	vadd.s32 v1, v4;
	_ =	sdelay $0x1  }
0x6f: {  	v3 =	vadd.s32 v1, v3;
	_ =	sdelay $0x2  }
0x70: {  	[tilespmem:s18], [sflag:$0x1] =	stream.indirect_vreg.gather [hbm4b:s3+s2], $0x80, v4, vm0, $0xb8;
	[tilespmem:$0x18200] =	vst v63  }
0x71: {  	_ = 	snop  }
0x72: {  	[tilespmem:s19], [sflag:$0x1] =	stream.indirect_vreg.gather [hbm4b:s3+s2], $0x80, v3, vm0, $0xb8;
	[tilespmem:$0x18200] =	vst v63  }
0x73: {  	v3 =	vld [tilespmem:$0x70];
	_ =	sdelay $0x4  }
0x74: {  	v39 =	vshll.u32 v3, $0x1  }
0x75: {  	v3 =	vand.u32 $0x7, v3;
	v4 =	vand.u32 $0xFFFFFFF0, v39  }
0x76: {  	v3 =	vor.u32 v3, v4  }
0x77: {  	v4 =	vperm.xlane v3, v0;
	_ =	sdelay $0x1  }
0x78: {  	v3 =	vperm.xlane v3, v2;
	v4 =	vadd.s32 v1, v4;
	_ =	sdelay $0x1  }
0x79: {  	v3 =	vadd.s32 v1, v3;
	_ =	sdelay $0x2  }
0x7a: {  	[tilespmem:s20], [sflag:$0x1] =	stream.indirect_vreg.gather [hbm4b:s3+s2], $0x80, v4, vm0, $0xb8;
	[tilespmem:$0x18200] =	vst v63  }
0x7b: {  	_ = 	snop  }
0x7c: {  	[tilespmem:s21], [sflag:$0x1] =	stream.indirect_vreg.gather [hbm4b:s3+s2], $0x80, v3, vm0, $0xb8;
	[tilespmem:$0x18200] =	vst v63  }
0x7d: {  	v3 =	vld [tilespmem:$0x80];
	_ =	sdelay $0x4  }
0x7e: {  	v40 =	vshll.u32 v3, $0x1  }
0x7f: {  	v3 =	vand.u32 $0x7, v3;
	v4 =	vand.u32 $0xFFFFFFF0, v40  }
0x80: {  	v3 =	vor.u32 v3, v4  }
0x81: {  	v4 =	vperm.xlane v3, v0;
	_ =	sdelay $0x1  }
0x82: {  	v3 =	vperm.xlane v3, v2;
	v4 =	vadd.s32 v1, v4;
	_ =	sdelay $0x1  }
0x83: {  	v3 =	vadd.s32 v1, v3;
	_ =	sdelay $0x2  }
0x84: {  	[tilespmem:s22], [sflag:$0x2] =	stream.indirect_vreg.gather [hbm4b:s3+s2], $0x80, v4, vm0, $0xb8;
	[tilespmem:$0x18200] =	vst v63  }
0x85: {  	s25 =	rddreg [dreg:$0x7]  }
0x86: {  	[tilespmem:s25], [sflag:$0x2] =	stream.indirect_vreg.gather [hbm4b:s3+s2], $0x80, v3, vm0, $0xb8;
	[tilespmem:$0x18200] =	vst v63  }
0x87: {  	v3 =	vld [tilespmem:$0x90];
	_ =	sdelay $0x4  }
0x88: {  	v41 =	vshll.u32 v3, $0x1  }
0x89: {  	v3 =	vand.u32 $0x7, v3;
	v4 =	vand.u32 $0xFFFFFFF0, v41  }
0x8a: {  	v3 =	vor.u32 v3, v4  }
0x8b: {  	v4 =	vperm.xlane v3, v0;
	_ =	sdelay $0x1  }
0x8c: {  	v3 =	vperm.xlane v3, v2;
	v4 =	vadd.s32 v1, v4;
	_ =	sdelay $0x1  }
0x8d: {  	v3 =	vadd.s32 v1, v3;
	_ =	sdelay $0x1  }
0x8e: {  	s0 =	rddreg [dreg:$0x8]  }
0x8f: {  	[tilespmem:s0], [sflag:$0x2] =	stream.indirect_vreg.gather [hbm4b:s3+s2], $0x80, v4, vm0, $0xb8;
	[tilespmem:$0x18200] =	vst v63  }
0x90: {  	s25 =	rddreg [dreg:$0x9]  }
0x91: {  	[tilespmem:s25], [sflag:$0x2] =	stream.indirect_vreg.gather [hbm4b:s3+s2], $0x80, v3, vm0, $0xb8;
	[tilespmem:$0x18200] =	vst v63  }
0x92: {  	v3 =	vld [tilespmem:$0xA0];
	_ =	sdelay $0x4  }
0x93: {  	v42 =	vshll.u32 v3, $0x1  }
0x94: {  	v3 =	vand.u32 $0x7, v3;
	v4 =	vand.u32 $0xFFFFFFF0, v42  }
0x95: {  	v3 =	vor.u32 v3, v4  }
0x96: {  	v4 =	vperm.xlane v3, v0;
	_ =	sdelay $0x1  }
0x97: {  	v3 =	vperm.xlane v3, v2;
	v4 =	vadd.s32 v1, v4;
	_ =	sdelay $0x1  }
0x98: {  	v3 =	vadd.s32 v1, v3;
	_ =	sdelay $0x1  }
0x99: {  	s0 =	rddreg [dreg:$0xa]  }
0x9a: {  	[tilespmem:s0], [sflag:$0x2] =	stream.indirect_vreg.gather [hbm4b:s3+s2], $0x80, v4, vm0, $0xb8;
	[tilespmem:$0x18200] =	vst v63  }
0x9b: {  	s25 =	rddreg [dreg:$0xb]  }
0x9c: {  	[tilespmem:s25], [sflag:$0x2] =	stream.indirect_vreg.gather [hbm4b:s3+s2], $0x80, v3, vm0, $0xb8;
	[tilespmem:$0x18200] =	vst v63  }
0x9d: {  	v3 =	vld [tilespmem:$0xB0];
	_ =	sdelay $0x4  }
0x9e: {  	v43 =	vshll.u32 v3, $0x1  }
0x9f: {  	v3 =	vand.u32 $0x7, v3;
	v4 =	vand.u32 $0xFFFFFFF0, v43  }
0xa0: {  	v3 =	vor.u32 v3, v4  }
0xa1: {  	v4 =	vperm.xlane v3, v0;
	_ =	sdelay $0x1  }
0xa2: {  	v3 =	vperm.xlane v3, v2;
	v4 =	vadd.s32 v1, v4;
	_ =	sdelay $0x1  }
0xa3: {  	v3 =	vadd.s32 v1, v3;
	_ =	sdelay $0x1  }
0xa4: {  	s0 =	rddreg [dreg:$0xc]  }
0xa5: {  	[tilespmem:s0], [sflag:$0x2] =	stream.indirect_vreg.gather [hbm4b:s3+s2], $0x80, v4, vm0, $0xb8;
	[tilespmem:$0x18200] =	vst v63  }
0xa6: {  	s25 =	rddreg [dreg:$0xd]  }
0xa7: {  	[tilespmem:s25], [sflag:$0x2] =	stream.indirect_vreg.gather [hbm4b:s3+s2], $0x80, v3, vm0, $0xb8;
	[tilespmem:$0x18200] =	vst v63  }
0xa8: {  	v3 =	vld [tilespmem:$0xC0];
	_ =	sdelay $0x4  }
0xa9: {  	v44 =	vshll.u32 v3, $0x1  }
0xaa: {  	v3 =	vand.u32 $0x7, v3;
	v4 =	vand.u32 $0xFFFFFFF0, v44  }
0xab: {  	v3 =	vor.u32 v3, v4  }
0xac: {  	v4 =	vperm.xlane v3, v0;
	_ =	sdelay $0x1  }
0xad: {  	v3 =	vperm.xlane v3, v2;
	v4 =	vadd.s32 v1, v4;
	_ =	sdelay $0x1  }
0xae: {  	v3 =	vadd.s32 v1, v3;
	_ =	sdelay $0x1  }
0xaf: {  	s0 =	rddreg [dreg:$0xe]  }
0xb0: {  	[tilespmem:s0], [sflag:$0x2] =	stream.indirect_vreg.gather [hbm4b:s3+s2], $0x80, v4, vm0, $0xb8;
	[tilespmem:$0x18200] =	vst v63  }
0xb1: {  	s25 =	rddreg [dreg:$0xf]  }
0xb2: {  	[tilespmem:s25], [sflag:$0x2] =	stream.indirect_vreg.gather [hbm4b:s3+s2], $0x80, v3, vm0, $0xb8;
	[tilespmem:$0x18200] =	vst v63  }
0xb3: {  	v3 =	vld [tilespmem:$0xD0];
	_ =	sdelay $0x4  }
0xb4: {  	v45 =	vshll.u32 v3, $0x1  }
0xb5: {  	v3 =	vand.u32 $0x7, v3;
	v4 =	vand.u32 $0xFFFFFFF0, v45  }
0xb6: {  	v3 =	vor.u32 v3, v4  }
0xb7: {  	v4 =	vperm.xlane v3, v0;
	_ =	sdelay $0x1  }
0xb8: {  	v3 =	vperm.xlane v3, v2;
	v4 =	vadd.s32 v1, v4;
	_ =	sdelay $0x1  }
0xb9: {  	v3 =	vadd.s32 v1, v3;
	_ =	sdelay $0x1  }
0xba: {  	s0 =	rddreg [dreg:$0x10]  }
0xbb: {  	[tilespmem:s0], [sflag:$0x2] =	stream.indirect_vreg.gather [hbm4b:s3+s2], $0x80, v4, vm0, $0xb8;
	[tilespmem:$0x18200] =	vst v63  }
0xbc: {  	s25 =	rddreg [dreg:$0x11]  }
0xbd: {  	[tilespmem:s25], [sflag:$0x2] =	stream.indirect_vreg.gather [hbm4b:s3+s2], $0x80, v3, vm0, $0xb8;
	[tilespmem:$0x18200] =	vst v63  }
0xbe: {  	v3 =	vld [tilespmem:$0xE0];
	_ =	sdelay $0x4  }
0xbf: {  	v46 =	vshll.u32 v3, $0x1  }
0xc0: {  	v3 =	vand.u32 $0x7, v3;
	v4 =	vand.u32 $0xFFFFFFF0, v46  }
0xc1: {  	v3 =	vor.u32 v3, v4  }
0xc2: {  	v4 =	vperm.xlane v3, v0;
	_ =	sdelay $0x1  }
0xc3: {  	v3 =	vperm.xlane v3, v2;
	v4 =	vadd.s32 v1, v4;
	_ =	sdelay $0x1  }
0xc4: {  	v3 =	vadd.s32 v1, v3;
	_ =	sdelay $0x1  }
0xc5: {  	s0 =	rddreg [dreg:$0x12]  }
0xc6: {  	[tilespmem:s0], [sflag:$0x2] =	stream.indirect_vreg.gather [hbm4b:s3+s2], $0x80, v4, vm0, $0xb8;
	[tilespmem:$0x18200] =	vst v63  }
0xc7: {  	s25 =	rddreg [dreg:$0x13]  }
0xc8: {  	[tilespmem:s25], [sflag:$0x2] =	stream.indirect_vreg.gather [hbm4b:s3+s2], $0x80, v3, vm0, $0xb8;
	[tilespmem:$0x18200] =	vst v63  }
0xc9: {  	v3 =	vld [tilespmem:$0xF0];
	_ =	sdelay $0x4  }
0xca: {  	v47 =	vshll.u32 v3, $0x1  }
0xcb: {  	v3 =	vand.u32 $0x7, v3;
	v4 =	vand.u32 $0xFFFFFFF0, v47  }
0xcc: {  	v3 =	vor.u32 v3, v4  }
0xcd: {  	v4 =	vperm.xlane v3, v0;
	_ =	sdelay $0x1  }
0xce: {  	v3 =	vperm.xlane v3, v2;
	v4 =	vadd.s32 v1, v4;
	_ =	sdelay $0x1  }
0xcf: {  	v3 =	vadd.s32 v1, v3;
	_ =	sdelay $0x1  }
0xd0: {  	s0 =	rddreg [dreg:$0x14]  }
0xd1: {  	[tilespmem:s0], [sflag:$0x2] =	stream.indirect_vreg.gather [hbm4b:s3+s2], $0x80, v4, vm0, $0xb8;
	[tilespmem:$0x18200] =	vst v63  }
0xd2: {  	s25 =	rddreg [dreg:$0x15]  }
0xd3: {  	[tilespmem:s25], [sflag:$0x2] =	stream.indirect_vreg.gather [hbm4b:s3+s2], $0x80, v3, vm0, $0xb8;
	[tilespmem:$0x18200] =	vst v63  }
0xd4: {  	_ =	swait.ge [sflag:s23], $0x8000  }
0xd5: {  	[sflag:s23] =	ssyncset.done $0x0  }
0xd6: {  	s25 =	rddreg [dreg:$0x3];
	[sflag:s23] =	ssyncadd.s32 $0xFFFF8000  }
0xd7: {  	[hbm4b:s25+s2] =	stream.linear.scatter [tilespmem:s6], [sflag:$0x4], $0x8000, $0x38;
	[tilespmem:$0x18200] =	vst v63  }
0xd8: {  	v3 =	vld [tilespmem:$0x100];
	_ =	sdelay $0x4  }
0xd9: {  	v48 =	vshll.u32 v3, $0x1  }
0xda: {  	v3 =	vand.u32 $0x7, v3;
	v4 =	vand.u32 $0xFFFFFFF0, v48  }
0xdb: {  	v3 =	vor.u32 v3, v4  }
0xdc: {  	v4 =	vperm.xlane v3, v0;
	_ =	sdelay $0x1  }
0xdd: {  	v3 =	vperm.xlane v3, v2;
	v4 =	vadd.s32 v1, v4;
	_ =	sdelay $0x1  }
0xde: {  	v3 =	vadd.s32 v1, v3;
	_ =	sdelay $0x2  }
0xdf: {  	[tilespmem:s24], [sflag:$0x3] =	stream.indirect_vreg.gather [hbm4b:s3+s2], $0x80, v4, vm0, $0xb8;
	[tilespmem:$0x18200] =	vst v63  }
0xe0: {  	s25 =	rddreg [dreg:$0x16]  }
0xe1: {  	[tilespmem:s25], [sflag:$0x3] =	stream.indirect_vreg.gather [hbm4b:s3+s2], $0x80, v3, vm0, $0xb8;
	[tilespmem:$0x18200] =	vst v63  }
0xe2: {  	v3 =	vld [tilespmem:$0x110];
	_ =	sdelay $0x4  }
0xe3: {  	v49 =	vshll.u32 v3, $0x1  }
0xe4: {  	v3 =	vand.u32 $0x7, v3;
	v4 =	vand.u32 $0xFFFFFFF0, v49  }
0xe5: {  	v3 =	vor.u32 v3, v4  }
0xe6: {  	v4 =	vperm.xlane v3, v0;
	_ =	sdelay $0x1  }
0xe7: {  	v3 =	vperm.xlane v3, v2;
	v4 =	vadd.s32 v1, v4;
	_ =	sdelay $0x1  }
0xe8: {  	v3 =	vadd.s32 v1, v3;
	_ =	sdelay $0x1  }
0xe9: {  	s0 =	rddreg [dreg:$0x17]  }
0xea: {  	[tilespmem:s0], [sflag:$0x3] =	stream.indirect_vreg.gather [hbm4b:s3+s2], $0x80, v4, vm0, $0xb8;
	[tilespmem:$0x18200] =	vst v63  }
0xeb: {  	s25 =	rddreg [dreg:$0x18]  }
0xec: {  	[tilespmem:s25], [sflag:$0x3] =	stream.indirect_vreg.gather [hbm4b:s3+s2], $0x80, v3, vm0, $0xb8;
	[tilespmem:$0x18200] =	vst v63  }
0xed: {  	v3 =	vld [tilespmem:$0x120];
	_ =	sdelay $0x4  }
0xee: {  	v50 =	vshll.u32 v3, $0x1  }
0xef: {  	v3 =	vand.u32 $0x7, v3;
	v4 =	vand.u32 $0xFFFFFFF0, v50  }
0xf0: {  	v3 =	vor.u32 v3, v4  }
0xf1: {  	v4 =	vperm.xlane v3, v0;
	_ =	sdelay $0x1  }
0xf2: {  	v3 =	vperm.xlane v3, v2;
	v4 =	vadd.s32 v1, v4;
	_ =	sdelay $0x1  }
0xf3: {  	v3 =	vadd.s32 v1, v3;
	_ =	sdelay $0x1  }
0xf4: {  	s0 =	rddreg [dreg:$0x19]  }
0xf5: {  	[tilespmem:s0], [sflag:$0x3] =	stream.indirect_vreg.gather [hbm4b:s3+s2], $0x80, v4, vm0, $0xb8;
	[tilespmem:$0x18200] =	vst v63  }
0xf6: {  	s25 =	rddreg [dreg:$0x1a]  }
0xf7: {  	[tilespmem:s25], [sflag:$0x3] =	stream.indirect_vreg.gather [hbm4b:s3+s2], $0x80, v3, vm0, $0xb8;
	[tilespmem:$0x18200] =	vst v63  }
0xf8: {  	v3 =	vld [tilespmem:$0x130];
	_ =	sdelay $0x4  }
0xf9: {  	v51 =	vshll.u32 v3, $0x1  }
0xfa: {  	v3 =	vand.u32 $0x7, v3;
	v4 =	vand.u32 $0xFFFFFFF0, v51  }
0xfb: {  	v3 =	vor.u32 v3, v4  }
0xfc: {  	v4 =	vperm.xlane v3, v0;
	_ =	sdelay $0x1  }
0xfd: {  	v3 =	vperm.xlane v3, v2;
	v4 =	vadd.s32 v1, v4;
	_ =	sdelay $0x1  }
0xfe: {  	v3 =	vadd.s32 v1, v3;
	_ =	sdelay $0x1  }
0xff: {  	s0 =	rddreg [dreg:$0x1b]  }
0x100: {  	[tilespmem:s0], [sflag:$0x3] =	stream.indirect_vreg.gather [hbm4b:s3+s2], $0x80, v4, vm0, $0xb8;
	[tilespmem:$0x18200] =	vst v63  }
0x101: {  	s25 =	rddreg [dreg:$0x1c]  }
0x102: {  	[tilespmem:s25], [sflag:$0x3] =	stream.indirect_vreg.gather [hbm4b:s3+s2], $0x80, v3, vm0, $0xb8;
	[tilespmem:$0x18200] =	vst v63  }
0x103: {  	v3 =	vld [tilespmem:$0x140];
	_ =	sdelay $0x4  }
0x104: {  	v52 =	vshll.u32 v3, $0x1  }
0x105: {  	v3 =	vand.u32 $0x7, v3;
	v4 =	vand.u32 $0xFFFFFFF0, v52  }
0x106: {  	v3 =	vor.u32 v3, v4  }
0x107: {  	v4 =	vperm.xlane v3, v0;
	_ =	sdelay $0x1  }
0x108: {  	v3 =	vperm.xlane v3, v2;
	v4 =	vadd.s32 v1, v4;
	_ =	sdelay $0x1  }
0x109: {  	v3 =	vadd.s32 v1, v3;
	_ =	sdelay $0x1  }
0x10a: {  	s0 =	rddreg [dreg:$0x1d]  }
0x10b: {  	[tilespmem:s0], [sflag:$0x3] =	stream.indirect_vreg.gather [hbm4b:s3+s2], $0x80, v4, vm0, $0xb8;
	[tilespmem:$0x18200] =	vst v63  }
0x10c: {  	s25 =	rddreg [dreg:$0x1e]  }
0x10d: {  	[tilespmem:s25], [sflag:$0x3] =	stream.indirect_vreg.gather [hbm4b:s3+s2], $0x80, v3, vm0, $0xb8;
	[tilespmem:$0x18200] =	vst v63  }
0x10e: {  	v3 =	vld [tilespmem:$0x150];
	_ =	sdelay $0x4  }
0x10f: {  	v53 =	vshll.u32 v3, $0x1  }
0x110: {  	v3 =	vand.u32 $0x7, v3;
	v4 =	vand.u32 $0xFFFFFFF0, v53  }
0x111: {  	v3 =	vor.u32 v3, v4  }
0x112: {  	v4 =	vperm.xlane v3, v0;
	_ =	sdelay $0x1  }
0x113: {  	v3 =	vperm.xlane v3, v2;
	v4 =	vadd.s32 v1, v4;
	_ =	sdelay $0x1  }
0x114: {  	v3 =	vadd.s32 v1, v3  }
0x115: {  	s0 =	rddreg [dreg:$0x1f]  }
0x116: {  	s25 =	sld [smem:$0x7FB]  }
0x117: {  	[tilespmem:s0], [sflag:$0x3] =	stream.indirect_vreg.gather [hbm4b:s3+s2], $0x80, v4, vm0, $0xb8;
	[tilespmem:$0x18200] =	vst v63  }
0x118: {  	_ = 	snop  }
0x119: {  	[tilespmem:s25], [sflag:$0x3] =	stream.indirect_vreg.gather [hbm4b:s3+s2], $0x80, v3, vm0, $0xb8;
	[tilespmem:$0x18200] =	vst v63  }
0x11a: {  	v3 =	vld [tilespmem:$0x160];
	_ =	sdelay $0x4  }
0x11b: {  	v54 =	vshll.u32 v3, $0x1  }
0x11c: {  	v3 =	vand.u32 $0x7, v3;
	v4 =	vand.u32 $0xFFFFFFF0, v54  }
0x11d: {  	v3 =	vor.u32 v3, v4  }
0x11e: {  	v4 =	vperm.xlane v3, v0;
	_ =	sdelay $0x1  }
0x11f: {  	v3 =	vperm.xlane v3, v2;
	v4 =	vadd.s32 v1, v4;
	_ =	sdelay $0x1  }
0x120: {  	s0 =	sld [smem:$0x7FC];
	v3 =	vadd.s32 v1, v3;
	_ =	sdelay $0x1  }
0x121: {  	s25 =	sld [smem:$0x7FD]  }
0x122: {  	[tilespmem:s0], [sflag:$0x3] =	stream.indirect_vreg.gather [hbm4b:s3+s2], $0x80, v4, vm0, $0xb8;
	[tilespmem:$0x18200] =	vst v63  }
0x123: {  	_ = 	snop  }
0x124: {  	[tilespmem:s25], [sflag:$0x3] =	stream.indirect_vreg.gather [hbm4b:s3+s2], $0x80, v3, vm0, $0xb8;
	[tilespmem:$0x18200] =	vst v63  }
0x125: {  	v3 =	vld [tilespmem:$0x170];
	_ =	sdelay $0x4  }
0x126: {  	v55 =	vshll.u32 v3, $0x1  }
0x127: {  	v3 =	vand.u32 $0x7, v3;
	v4 =	vand.u32 $0xFFFFFFF0, v55  }
0x128: {  	v3 =	vor.u32 v3, v4  }
0x129: {  	v4 =	vperm.xlane v3, v0;
	_ =	sdelay $0x1  }
0x12a: {  	v3 =	vperm.xlane v3, v2;
	v4 =	vadd.s32 v1, v4;
	_ =	sdelay $0x1  }
0x12b: {  	v3 =	vadd.s32 v1, v3;
	_ =	sdelay $0x1  }
0x12c: {  	s25 =	simm.s32 $0x17200  }
0x12d: {  	[tilespmem:s25], [sflag:$0x3] =	stream.indirect_vreg.gather [hbm4b:s3+s2], $0x80, v4, vm0, $0xb8;
	[tilespmem:$0x18200] =	vst v63  }
0x12e: {  	_ = 	snop  }
0x12f: {  	[tilespmem:s26], [sflag:$0x3] =	stream.indirect_vreg.gather [hbm4b:s3+s2], $0x80, v3, vm0, $0xb8;
	[tilespmem:$0x18200] =	vst v63  }
0x130: {  	_ =	swait.ge [sflag:s28], $0x8000  }
0x131: {  	[sflag:s28] =	ssyncset.done $0x0  }
0x132: {  	s25 =	rddreg [dreg:$0x4];
	[sflag:s28] =	ssyncadd.s32 $0xFFFF8000  }
0x133: {  	[hbm4b:s25+s2] =	stream.linear.scatter [tilespmem:s22], [sflag:$0x5], $0x8000, $0x38;
	[tilespmem:$0x18200] =	vst v63  }
0x134: {  	_ =	swait.ge [sflag:s29], $0x8000  }
0x135: {  	[sflag:s29] =	ssyncset.done $0x0  }
0x136: {  	[sflag:s29] =	ssyncadd.s32 $0xFFFF8000  }
0x137: {  	v3 =	vld [tilespmem:$0x180];
	_ =	sdelay $0x4  }
0x138: {  	v56 =	vshll.u32 v3, $0x1  }
0x139: {  	v3 =	vand.u32 $0x7, v3;
	v4 =	vand.u32 $0xFFFFFFF0, v56  }
0x13a: {  	v3 =	vor.u32 v3, v4  }
0x13b: {  	v4 =	vperm.xlane v3, v0;
	_ =	sdelay $0x1  }
0x13c: {  	v3 =	vperm.xlane v3, v2;
	v4 =	vadd.s32 v1, v4;
	_ =	sdelay $0x1  }
0x13d: {  	v3 =	vadd.s32 v1, v3;
	_ =	sdelay $0x2  }
0x13e: {  	[tilespmem:s6], [sflag:$0x1] =	stream.indirect_vreg.gather [hbm4b:s3+s2], $0x80, v4, vm0, $0xb8;
	[tilespmem:$0x18200] =	vst v63  }
0x13f: {  	_ = 	snop  }
0x140: {  	[tilespmem:s7], [sflag:$0x1] =	stream.indirect_vreg.gather [hbm4b:s3+s2], $0x80, v3, vm0, $0xb8;
	[tilespmem:$0x18200] =	vst v63  }
0x141: {  	v3 =	vld [tilespmem:$0x190];
	_ =	sdelay $0x4  }
0x142: {  	v57 =	vshll.u32 v3, $0x1  }
0x143: {  	v3 =	vand.u32 $0x7, v3;
	v4 =	vand.u32 $0xFFFFFFF0, v57  }
0x144: {  	v3 =	vor.u32 v3, v4  }
0x145: {  	v4 =	vperm.xlane v3, v0;
	_ =	sdelay $0x1  }
0x146: {  	v3 =	vperm.xlane v3, v2;
	v4 =	vadd.s32 v1, v4;
	_ =	sdelay $0x1  }
0x147: {  	v3 =	vadd.s32 v1, v3;
	_ =	sdelay $0x2  }
0x148: {  	[tilespmem:s8], [sflag:$0x1] =	stream.indirect_vreg.gather [hbm4b:s3+s2], $0x80, v4, vm0, $0xb8;
	[tilespmem:$0x18200] =	vst v63  }
0x149: {  	_ = 	snop  }
0x14a: {  	[tilespmem:s9], [sflag:$0x1] =	stream.indirect_vreg.gather [hbm4b:s3+s2], $0x80, v3, vm0, $0xb8;
	[tilespmem:$0x18200] =	vst v63  }
0x14b: {  	v3 =	vld [tilespmem:$0x1A0];
	_ =	sdelay $0x4  }
0x14c: {  	v58 =	vshll.u32 v3, $0x1  }
0x14d: {  	v3 =	vand.u32 $0x7, v3;
	v4 =	vand.u32 $0xFFFFFFF0, v58  }
0x14e: {  	v3 =	vor.u32 v3, v4  }
0x14f: {  	v4 =	vperm.xlane v3, v0;
	_ =	sdelay $0x1  }
0x150: {  	v3 =	vperm.xlane v3, v2;
	v4 =	vadd.s32 v1, v4;
	_ =	sdelay $0x1  }
0x151: {  	v3 =	vadd.s32 v1, v3;
	_ =	sdelay $0x2  }
0x152: {  	[tilespmem:s10], [sflag:$0x1] =	stream.indirect_vreg.gather [hbm4b:s3+s2], $0x80, v4, vm0, $0xb8;
	[tilespmem:$0x18200] =	vst v63  }
0x153: {  	_ = 	snop  }
0x154: {  	[tilespmem:s11], [sflag:$0x1] =	stream.indirect_vreg.gather [hbm4b:s3+s2], $0x80, v3, vm0, $0xb8;
	[tilespmem:$0x18200] =	vst v63  }
0x155: {  	v3 =	vld [tilespmem:$0x1B0];
	_ =	sdelay $0x4  }
0x156: {  	v59 =	vshll.u32 v3, $0x1  }
0x157: {  	v3 =	vand.u32 $0x7, v3;
	v4 =	vand.u32 $0xFFFFFFF0, v59  }
0x158: {  	v3 =	vor.u32 v3, v4  }
0x159: {  	v4 =	vperm.xlane v3, v0;
	_ =	sdelay $0x1  }
0x15a: {  	v3 =	vperm.xlane v3, v2;
	v4 =	vadd.s32 v1, v4;
	_ =	sdelay $0x1  }
0x15b: {  	v3 =	vadd.s32 v1, v3;
	_ =	sdelay $0x2  }
0x15c: {  	[tilespmem:s12], [sflag:$0x1] =	stream.indirect_vreg.gather [hbm4b:s3+s2], $0x80, v4, vm0, $0xb8;
	[tilespmem:$0x18200] =	vst v63  }
0x15d: {  	_ = 	snop  }
0x15e: {  	[tilespmem:s13], [sflag:$0x1] =	stream.indirect_vreg.gather [hbm4b:s3+s2], $0x80, v3, vm0, $0xb8;
	[tilespmem:$0x18200] =	vst v63  }
0x15f: {  	v3 =	vld [tilespmem:$0x1C0];
	_ =	sdelay $0x4  }
0x160: {  	v60 =	vshll.u32 v3, $0x1  }
0x161: {  	v3 =	vand.u32 $0x7, v3;
	v4 =	vand.u32 $0xFFFFFFF0, v60  }
0x162: {  	v3 =	vor.u32 v3, v4  }
0x163: {  	v4 =	vperm.xlane v3, v0;
	_ =	sdelay $0x1  }
0x164: {  	v3 =	vperm.xlane v3, v2;
	v4 =	vadd.s32 v1, v4;
	_ =	sdelay $0x1  }
0x165: {  	v3 =	vadd.s32 v1, v3;
	_ =	sdelay $0x2  }
0x166: {  	[tilespmem:s14], [sflag:$0x1] =	stream.indirect_vreg.gather [hbm4b:s3+s2], $0x80, v4, vm0, $0xb8;
	[tilespmem:$0x18200] =	vst v63  }
0x167: {  	_ = 	snop  }
0x168: {  	[tilespmem:s15], [sflag:$0x1] =	stream.indirect_vreg.gather [hbm4b:s3+s2], $0x80, v3, vm0, $0xb8;
	[tilespmem:$0x18200] =	vst v63  }
0x169: {  	v3 =	vld [tilespmem:$0x1D0];
	_ =	sdelay $0x4  }
0x16a: {  	v61 =	vshll.u32 v3, $0x1  }
0x16b: {  	v3 =	vand.u32 $0x7, v3;
	v4 =	vand.u32 $0xFFFFFFF0, v61  }
0x16c: {  	v3 =	vor.u32 v3, v4  }
0x16d: {  	v4 =	vperm.xlane v3, v0;
	_ =	sdelay $0x1  }
0x16e: {  	v3 =	vperm.xlane v3, v2;
	v4 =	vadd.s32 v1, v4;
	_ =	sdelay $0x1  }
0x16f: {  	v3 =	vadd.s32 v1, v3;
	_ =	sdelay $0x2  }
0x170: {  	[tilespmem:s16], [sflag:$0x1] =	stream.indirect_vreg.gather [hbm4b:s3+s2], $0x80, v4, vm0, $0xb8;
	[tilespmem:$0x18200] =	vst v63  }
0x171: {  	_ = 	snop  }
0x172: {  	[tilespmem:s17], [sflag:$0x1] =	stream.indirect_vreg.gather [hbm4b:s3+s2], $0x80, v3, vm0, $0xb8;
	[tilespmem:$0x18200] =	vst v63  }
0x173: {  	v3 =	vld [tilespmem:$0x1E0];
	_ =	sdelay $0x4  }
0x174: {  	v62 =	vshll.u32 v3, $0x1  }
0x175: {  	v3 =	vand.u32 $0x7, v3;
	v4 =	vand.u32 $0xFFFFFFF0, v62  }
0x176: {  	v3 =	vor.u32 v3, v4  }
0x177: {  	v4 =	vperm.xlane v3, v0;
	_ =	sdelay $0x1  }
0x178: {  	v3 =	vperm.xlane v3, v2;
	v4 =	vadd.s32 v1, v4;
	_ =	sdelay $0x1  }
0x179: {  	v3 =	vadd.s32 v1, v3;
	_ =	sdelay $0x2  }
0x17a: {  	[tilespmem:s18], [sflag:$0x1] =	stream.indirect_vreg.gather [hbm4b:s3+s2], $0x80, v4, vm0, $0xb8;
	[tilespmem:$0x18200] =	vst v63  }
0x17b: {  	_ = 	snop  }
0x17c: {  	[tilespmem:s19], [sflag:$0x1] =	stream.indirect_vreg.gather [hbm4b:s3+s2], $0x80, v3, vm0, $0xb8;
	[tilespmem:$0x18200] =	vst v63  }
0x17d: {  	v3 =	vld [tilespmem:$0x1F0];
	_ =	sdelay $0x4  }
0x17e: {  	v63 =	vshll.u32 v3, $0x1  }
0x17f: {  	v3 =	vand.u32 $0x7, v3;
	v4 =	vand.u32 $0xFFFFFFF0, v63  }
0x180: {  	v3 =	vor.u32 v3, v4  }
0x181: {  	v4 =	vperm.xlane v3, v0;
	_ =	sdelay $0x1  }
0x182: {  	v3 =	vperm.xlane v3, v2;
	v4 =	vadd.s32 v1, v4;
	_ =	sdelay $0x1  }
0x183: {  	v3 =	vadd.s32 v1, v3;
	_ =	sdelay $0x2  }
0x184: {  	[tilespmem:s20], [sflag:$0x1] =	stream.indirect_vreg.gather [hbm4b:s3+s2], $0x80, v4, vm0, $0xb8;
	[tilespmem:$0x18200] =	vst v63  }
0x185: {  	_ = 	snop  }
0x186: {  	[tilespmem:s21], [sflag:$0x1] =	stream.indirect_vreg.gather [hbm4b:s3+s2], $0x80, v3, vm0, $0xb8;
	[tilespmem:$0x18200] =	vst v63  }
0x187: {  	_ =	swait.ge [sflag:s30], $0x8000  }
0x188: {  	[sflag:s30] =	ssyncset.done $0x0  }
0x189: {  	s25 =	rddreg [dreg:$0x5];
	[sflag:s30] =	ssyncadd.s32 $0xFFFF8000  }
0x18a: {  	[hbm4b:s25+s2] =	stream.linear.scatter [tilespmem:s24], [sflag:$0x6], $0x8000, $0x38;
	[tilespmem:$0x18200] =	vst v63  }
0x18b: {  	_ =	swait.ge [sflag:s23], $0x8000  }
0x18c: {  	[sflag:s23] =	ssyncset.done $0x0  }
0x18d: {  	s25 =	rddreg [dreg:$0x6];
	[sflag:s23] =	ssyncadd.s32 $0xFFFF8000  }
0x18e: {  	[hbm4b:s25+s2] =	stream.linear.scatter [tilespmem:s6], [sflag:$0x4], $0x8000, $0x38;
	[tilespmem:$0x18200] =	vst v63  }
0x18f: {  	_ =	swait.ge [sflag:s31], $0x8000  }
0x190: {  	[sflag:s31] =	ssyncset.done $0x0  }
0x191: {  	[sflag:s31] =	ssyncadd.s32 $0xFFFF8000  }
0x192: {  	p0 =	sne.s32 s4, $0x1;
	_ =	swait.ge [sflag:s1], $0x8000  }
.Ltmp0:
0x193: {  	[sflag:s1] =	ssyncset.done $0x0;
	(pc) =	sbr.rel @p0 .LBB2_1-.Ltmp0, $4  }
0x194: {  	[sflag:s1] =	ssyncadd.s32 $0xFFFF8000  }
0x195: {  	_ =	swait.ge [sflag:s29], $0x8000  }
0x196: {  	[sflag:s29] =	ssyncset.done $0x0  }
0x197: {  	s4 =	sadd.s32 $0xFFFFFFFF, s4;
	[sflag:s29] =	ssyncadd.s32 $0xFFFF8000  }
0x198: {  	_ =	sfence.sel $0x180000  }
0x199: {  	[bflag:$0x0] =	sbarrier.arrive $0xFFFF  }
0x19a: {  	_ =	strace $0x90000047  }
0x19b: {  	s0 =	stileid.u32;
	[bflag:$0x2] =	sbarrier.arrive $0xFFFF  }
0x19c: {  	p0 =	sne.s32 s0, $0x0;
	s0 =	rddreg [dreg:$0x1]  }
0x19d: {  	s0 =	sadd.s32 @!p0 $0x100000, s0  }
0x19e: {  	[sflag:s0] =	ssyncadd.tile.s32 @!p0 $0x1;
	_ =	shalt  }
.Lfunc_end2:
_tile_overlayer_lowered:
.L_overlay_start_2:
0x19f: {  	(tag) =	ssettag $0x2  }
0x1a0: {  	s0 =	rddreg [dreg:$0x0];
	s2 =	stileid.u32  }
0x1a1: {  	s1 =	rddreg [dreg:$0x1];
	p0 =	sne.s32 s2, $0x0  }
0x1a2: {  	s3 =	rddreg [dreg:$0x2];
	[bflag:$0x3] =	sbarrier.arrive $0xFFFF;
	s2 =	simm.s32 @!p0 $0x1C07  }
0x1a3: {  	[timem:s3], [sflag:s2] =	dma.local @!p0 [hbm:s0], s1  }
0x1a4: {  	s0 =	simm.s32 @!p0 $0x7  }
0x1a5: {  	_ =	swait.ge @!p0 [sflag:s0], s1  }
0x1a6: {  	s1 =	ssub.s32 @!p0 $0x0, s1;
	[sflag:s0] =	ssyncset.done @!p0 $0x0  }
0x1a7: {  	[sflag:s0] =	ssyncadd.s32 @!p0 s1  }
0x1a8: {  	[bflag:$0x3] =	sbarrier.arrive $0xFFFF  }
0x1a9: {  	_ =	shalt  }

</sc_bundles>
